<compile_context>
chip_gen: v7x
topology: tpu7x:2x2x1
jax: 0.10.2.dev20260603
libtpu: 0.0.44.dev20260713+nightly
codegen_flags: <defaults>
</compile_context>

<pallas_src>
import jax
import jax.numpy as jnp
from jax import lax
from jax.experimental import pallas as pl
from jax.experimental.pallas import tpu as pltpu
from jax.experimental.pallas import tpu_sc as plsc

NN = 10000
DIN = 128
DOUT = 64
D1 = 96
NC = 2
NS = 16
NW = NC * NS
CHUNK = 1024
K0 = 14
K1 = 6
RB = 128
E_PAD = NS * (K0 + K1) * CHUNK
ROWS_PER_TILE = 640
ROWS = NS * ROWS_PER_TILE
DUMP_ROW = NN

_MESH = plsc.VectorSubcoreMesh(
    core_axis_name="c", subcore_axis_name="s", num_cores=NC, num_subcores=NS)


def _make_sc_agg(D):

    def body(tab, srcb, dstb, out_acc, src_v, dst_v, rows_v, stage_v, zbuf,
             acc_sh, sem):
        c = lax.axis_index("c")
        s = lax.axis_index("s")
        w = c * NS + s
        pltpu.sync_copy(srcb.at[w], src_v)
        pltpu.sync_copy(dstb.at[w], dst_v)
        zeros32 = jnp.zeros((32,), jnp.bfloat16)
        for r in range(16):
            for t in range(D // 32):
                zbuf[r, pl.ds(t * 32, 32)] = zeros32
        base = s * ROWS_PER_TILE

        def zacc(i, carry):
            pltpu.sync_copy(zbuf, acc_sh.at[pl.ds(base + i * 16, 16)])
            return carry

        with jax.named_scope("agg_zero"):
            lax.fori_loop(0, ROWS_PER_TILE // 16, zacc, 0)
            plsc.subcore_barrier()

        def step(j, carry):
            with jax.named_scope("agg_gather"):
                pltpu.async_copy(tab.at[src_v.at[j]], rows_v, sem).wait()
            with jax.named_scope("agg_scatter"):
                pltpu.sync_copy(rows_v, acc_sh.at[dst_v.at[j]], add=True)
            return carry

        with jax.named_scope("agg_main"):
            nblk = jnp.where(c == 0, K0, K1)
            lax.fori_loop(0, nblk, step, 0)
        with jax.named_scope("agg_bar"):
            plsc.subcore_barrier()

        def wout(i, carry):
            off = base + i * RB
            pltpu.sync_copy(acc_sh.at[pl.ds(off, RB)], stage_v)
            pltpu.sync_copy(stage_v, out_acc.at[c, pl.ds(off, RB)])
            return carry

        with jax.named_scope("agg_out"):
            lax.fori_loop(0, ROWS_PER_TILE // RB, wout, 0)

    return pl.kernel(
        body,
        out_type=jax.ShapeDtypeStruct((NC, ROWS, D), jnp.bfloat16),
        mesh=_MESH,
        scratch_types=(
            pltpu.VMEM((K0, CHUNK), jnp.int32),
            pltpu.VMEM((K0, CHUNK), jnp.int32),
            pltpu.VMEM((CHUNK, D), jnp.bfloat16),
            pltpu.VMEM((RB, D), jnp.bfloat16),
            pltpu.VMEM((16, D), jnp.bfloat16),
            pltpu.VMEM_SHARED((ROWS, D), jnp.bfloat16),
            pltpu.SemaphoreType.DMA,
        ),
        compiler_params=pltpu.CompilerParams(use_tc_tiling_on_sc=False),
    )


_sc_agg1 = _make_sc_agg(D1)
_sc_agg2 = _make_sc_agg(DOUT)


def _dot_t(a, b):
    return lax.dot_general(a, b, (((1,), (1,)), ((), ())),
                           preferred_element_type=jnp.float32)


def _tc1_body(x_ref, wl_ref, wr_ref, b_ref, tab_ref, s_ref):
    xv = x_ref[...]
    xw = _dot_t(xv, wl_ref[...])
    cols = lax.broadcasted_iota(jnp.int32, (NN, D1 - DOUT), 1)
    tail = jnp.where(cols == 0, jnp.float32(1.0), jnp.float32(0.0))
    tab_ref[...] = jnp.concatenate([xw, tail], axis=1).astype(jnp.bfloat16)
    s_ref[...] = _dot_t(xv, wr_ref[...]) + b_ref[...][None, :]


_tc1 = pl.pallas_call(
    _tc1_body,
    out_shape=(jax.ShapeDtypeStruct((NN, D1), jnp.bfloat16),
               jax.ShapeDtypeStruct((NN, DOUT), jnp.float32)))


def _tc2_body(acc_ref, s1_ref, wl_ref, wr_ref, b_ref, tab2_ref, s2_ref):
    p = acc_ref[0].astype(jnp.float32) + acc_ref[1].astype(jnp.float32)
    feat = p[:NN, :DOUT]
    cnt = p[:NN, DOUT:DOUT + 1]
    inv = 1.0 / jnp.clip(cnt, 1.0, None)
    h = feat * inv + s1_ref[...]
    tab2_ref[...] = _dot_t(h, wl_ref[...]).astype(jnp.bfloat16)
    s2_ref[...] = _dot_t(h, wr_ref[...]) + b_ref[...][None, :]


_tc2 = pl.pallas_call(
    _tc2_body,
    out_shape=(jax.ShapeDtypeStruct((NN, DOUT), jnp.bfloat16),
               jax.ShapeDtypeStruct((NN, DOUT), jnp.float32)))


def _tc3_body(acc2_ref, acc1_ref, s2_ref, out_ref):
    p2 = acc2_ref[0].astype(jnp.float32) + acc2_ref[1].astype(jnp.float32)
    cnt = (acc1_ref[0, :NN, DOUT:DOUT + 1].astype(jnp.float32)
           + acc1_ref[1, :NN, DOUT:DOUT + 1].astype(jnp.float32))
    inv = 1.0 / jnp.clip(cnt, 1.0, None)
    out_ref[...] = p2[:NN] * inv + s2_ref[...]


_tc3 = pl.pallas_call(
    _tc3_body,
    out_shape=jax.ShapeDtypeStruct((NN, DOUT), jnp.float32))


def kernel(x, edge_index, W1_l, b1_l, W1_r, W2_l, b2_l, W2_r):
    src = edge_index[0].astype(jnp.int32)
    dst = edge_index[1].astype(jnp.int32)

    def blocks(flat, fill):
        pad = E_PAD - flat.shape[0]
        flat = jnp.concatenate([flat, jnp.full((pad,), fill, jnp.int32)])
        n0 = NS * K0 * CHUNK
        p0 = flat[:n0].reshape(NS, K0, CHUNK)
        p1 = flat[n0:].reshape(NS, K1, CHUNK)
        p1 = jnp.concatenate(
            [p1, jnp.full((NS, K0 - K1, CHUNK), fill, jnp.int32)], axis=1)
        return jnp.concatenate([p0, p1], axis=0)

    srcb = blocks(src, 0)
    dstb = blocks(dst, DUMP_ROW)

    tab1, s1 = _tc1(x, W1_l, W1_r, b1_l)
    acc1 = _sc_agg1(tab1, srcb, dstb)
    tab2, s2 = _tc2(acc1, s1, W2_l, W2_r, b2_l)
    acc2 = _sc_agg2(tab2, srcb, dstb)
    return _tc3(acc2, acc1, s2)

# --- scband reference (transcript-rebuilt; emitter-appended) ---
"""Pipeline reference for scband-graph-sage-67388036874504 (READ-ONLY COPY).

The authoritative reference and input builder live on the scoring server;
editing this copy changes nothing except your own understanding.
"""

import jax, jax.numpy as jnp
import numpy as np

N_NODES = 10000
N_EDGES = 320000
D_IN = 128
D_OUT = 64


def _sage_conv(x, src, dst, W_l, b_l, W_r, num_nodes):
    # PyG SAGEConv with mean aggregation:
    # out = lin_l(mean_{j in N(i)} x_j) + lin_r(x_i)
    msgs = x[src]  # gather source node features per edge
    summed = jax.ops.segment_sum(msgs, dst, num_segments=num_nodes)
    counts = jax.ops.segment_sum(jnp.ones((msgs.shape[0],), dtype=x.dtype), dst, num_segments=num_nodes)
    mean = summed / jnp.clip(counts, 1.0, None)[:, None]
    return mean @ W_l.T + b_l + x @ W_r.T


def setup_inputs(seed: int = 0) -> dict:
    key = jax.random.key(seed)
    k_x, k_e, k1, k2, k3, k4 = jax.random.split(key, 6)
    x = jax.random.normal(k_x, (N_NODES, D_IN), dtype=jnp.float32)
    edge_index = jax.random.randint(k_e, (2, N_EDGES), 0, N_NODES, dtype=jnp.int64)
    s1 = 1.0 / np.sqrt(D_IN)
    s2 = 1.0 / np.sqrt(D_OUT)
    W1_l = jax.random.uniform(k1, (D_OUT, D_IN), jnp.float32, -s1, s1)
    b1_l = jnp.zeros((D_OUT,), jnp.float32)
    W1_r = jax.random.uniform(k2, (D_OUT, D_IN), jnp.float32, -s1, s1)
    W2_l = jax.random.uniform(k3, (D_OUT, D_OUT), jnp.float32, -s2, s2)
    b2_l = jnp.zeros((D_OUT,), jnp.float32)
    W2_r = jax.random.uniform(k4, (D_OUT, D_OUT), jnp.float32, -s2, s2)
    return {"x": x, "edge_index": edge_index, "W1_l": W1_l, "b1_l": b1_l, "W1_r": W1_r,
            "W2_l": W2_l, "b2_l": b2_l, "W2_r": W2_r}


def reference(x, edge_index, W1_l, b1_l, W1_r, W2_l, b2_l, W2_r):
    src = edge_index[0]
    dst = edge_index[1]
    h = _sage_conv(x, src, dst, W1_l, b1_l, W1_r, N_NODES)
    out = _sage_conv(h, src, dst, W2_l, b2_l, W2_r, N_NODES)
    return out

if __name__ == "__main__":
    import jax
    _d = setup_inputs()
    print(jax.jit(kernel)(*tuple(_d.values())))

</pallas_src>

<mosaic_0001>
#map = affine_map<(d0, d1) -> (0, 0)>
#map1 = affine_map<(d0, d1) -> (0, 0, 0)>
module attributes {stable_mosaic.version = 14 : i64} {
  func.func @body(%arg0: i32, %arg1: i32, %arg2: memref<10000x96xbf16, #tpu.memory_space<hbm>>, %arg3: memref<32x14x1024xi32, #tpu.memory_space<hbm>>, %arg4: memref<32x14x1024xi32, #tpu.memory_space<hbm>>, %arg5: memref<2x10240x96xbf16, #tpu.memory_space<hbm>>, %arg6: memref<14x1024xi32, #tpu.memory_space<vmem>>, %arg7: memref<14x1024xi32, #tpu.memory_space<vmem>>, %arg8: memref<1024x96xbf16, #tpu.memory_space<vmem>>, %arg9: memref<128x96xbf16, #tpu.memory_space<vmem>>, %arg10: memref<16x96xbf16, #tpu.memory_space<vmem>>, %arg11: memref<10240x96xbf16, #tpu.memory_space<vmem_shared>>, %arg12: memref<!tpu.dma_semaphore, #tpu.memory_space<semaphore_mem>>) attributes {dimension_semantics = [#tpu.dimension_semantics<core_parallel>, #tpu.dimension_semantics<subcore_parallel>], iteration_bounds = array<i64: 2, 16>, scalar_prefetch = 0 : i64, scratch_operands = 7 : i64, tpu.core_type = #tpu.core_type<sc_vector_subcore>, window_params = [{transform_indices = #map}, {transform_indices = #map1}, {transform_indices = #map1}, {transform_indices = #map1}]} {
    %mul3A = arith.constant 16 : i32
    %mul3A_0 = arith.muli %arg0, %mul3A : i32
    %add3A = arith.addi %mul3A_0, %arg1 : i32
    "tpu.region"() ({
      %run_scoped3A = tpu.sem_alloc : memref<!tpu.dma_semaphore, #tpu.memory_space<semaphore_mem>>
      %dma_start3A = arith.constant 0 : i32
      %dma_start3A_314 = arith.constant 0 : i32
      %dma_start3A_315 = tpu.memref_slice %arg3[%add3A, %dma_start3A, %dma_start3A_314] : memref<32x14x1024xi32, #tpu.memory_space<hbm>> -> memref<1x14x1024xi32, #tpu.memory_space<hbm>>
      %dma_start3A_316 = tpu.memref_squeeze %dma_start3A_315 : memref<1x14x1024xi32, #tpu.memory_space<hbm>> -> memref<14x1024xi32, #tpu.memory_space<hbm>>
      %dma_start3A_317 = arith.constant 0 : i32
      %dma_start3A_318 = arith.constant 0 : i32
      %dma_start3A_319 = tpu.memref_slice %arg3[%add3A, %dma_start3A_317, %dma_start3A_318] : memref<32x14x1024xi32, #tpu.memory_space<hbm>> -> memref<1x14x1024xi32, #tpu.memory_space<hbm>>
      %dma_start3A_320 = tpu.memref_squeeze %dma_start3A_319 : memref<1x14x1024xi32, #tpu.memory_space<hbm>> -> memref<14x1024xi32, #tpu.memory_space<hbm>>
      tpu.enqueue_dma source(%dma_start3A_320 : memref<14x1024xi32, #tpu.memory_space<hbm>>) target(%arg6 : memref<14x1024xi32, #tpu.memory_space<vmem>>) target_semaphore(%run_scoped3A : memref<!tpu.dma_semaphore, #tpu.memory_space<semaphore_mem>>)
      %dma_wait3A = arith.constant 0 : i32
      %dma_wait3A_321 = arith.constant 0 : i32
      %dma_wait3A_322 = tpu.memref_slice %arg3[%add3A, %dma_wait3A, %dma_wait3A_321] : memref<32x14x1024xi32, #tpu.memory_space<hbm>> -> memref<1x14x1024xi32, #tpu.memory_space<hbm>>
      %dma_wait3A_323 = tpu.memref_squeeze %dma_wait3A_322 : memref<1x14x1024xi32, #tpu.memory_space<hbm>> -> memref<14x1024xi32, #tpu.memory_space<hbm>>
      %dma_wait3A_324 = arith.constant 0 : i32
      %dma_wait3A_325 = arith.constant 0 : i32
      %dma_wait3A_326 = tpu.memref_slice %arg3[%add3A, %dma_wait3A_324, %dma_wait3A_325] : memref<32x14x1024xi32, #tpu.memory_space<hbm>> -> memref<1x14x1024xi32, #tpu.memory_space<hbm>>
      %dma_wait3A_327 = tpu.memref_squeeze %dma_wait3A_326 : memref<1x14x1024xi32, #tpu.memory_space<hbm>> -> memref<14x1024xi32, #tpu.memory_space<hbm>>
      tpu.wait_dma2 semaphore(%run_scoped3A : memref<!tpu.dma_semaphore, #tpu.memory_space<semaphore_mem>>) src(%dma_wait3A_327 : memref<14x1024xi32, #tpu.memory_space<hbm>>) dst(%arg6 : memref<14x1024xi32, #tpu.memory_space<vmem>>)
      tpu.yield
    }) : () -> ()
    "tpu.region"() ({
      %run_scoped3A = tpu.sem_alloc : memref<!tpu.dma_semaphore, #tpu.memory_space<semaphore_mem>>
      %dma_start3A = arith.constant 0 : i32
      %dma_start3A_314 = arith.constant 0 : i32
      %dma_start3A_315 = tpu.memref_slice %arg4[%add3A, %dma_start3A, %dma_start3A_314] : memref<32x14x1024xi32, #tpu.memory_space<hbm>> -> memref<1x14x1024xi32, #tpu.memory_space<hbm>>
      %dma_start3A_316 = tpu.memref_squeeze %dma_start3A_315 : memref<1x14x1024xi32, #tpu.memory_space<hbm>> -> memref<14x1024xi32, #tpu.memory_space<hbm>>
      %dma_start3A_317 = arith.constant 0 : i32
      %dma_start3A_318 = arith.constant 0 : i32
      %dma_start3A_319 = tpu.memref_slice %arg4[%add3A, %dma_start3A_317, %dma_start3A_318] : memref<32x14x1024xi32, #tpu.memory_space<hbm>> -> memref<1x14x1024xi32, #tpu.memory_space<hbm>>
      %dma_start3A_320 = tpu.memref_squeeze %dma_start3A_319 : memref<1x14x1024xi32, #tpu.memory_space<hbm>> -> memref<14x1024xi32, #tpu.memory_space<hbm>>
      tpu.enqueue_dma source(%dma_start3A_320 : memref<14x1024xi32, #tpu.memory_space<hbm>>) target(%arg7 : memref<14x1024xi32, #tpu.memory_space<vmem>>) target_semaphore(%run_scoped3A : memref<!tpu.dma_semaphore, #tpu.memory_space<semaphore_mem>>)
      %dma_wait3A = arith.constant 0 : i32
      %dma_wait3A_321 = arith.constant 0 : i32
      %dma_wait3A_322 = tpu.memref_slice %arg4[%add3A, %dma_wait3A, %dma_wait3A_321] : memref<32x14x1024xi32, #tpu.memory_space<hbm>> -> memref<1x14x1024xi32, #tpu.memory_space<hbm>>
      %dma_wait3A_323 = tpu.memref_squeeze %dma_wait3A_322 : memref<1x14x1024xi32, #tpu.memory_space<hbm>> -> memref<14x1024xi32, #tpu.memory_space<hbm>>
      %dma_wait3A_324 = arith.constant 0 : i32
      %dma_wait3A_325 = arith.constant 0 : i32
      %dma_wait3A_326 = tpu.memref_slice %arg4[%add3A, %dma_wait3A_324, %dma_wait3A_325] : memref<32x14x1024xi32, #tpu.memory_space<hbm>> -> memref<1x14x1024xi32, #tpu.memory_space<hbm>>
      %dma_wait3A_327 = tpu.memref_squeeze %dma_wait3A_326 : memref<1x14x1024xi32, #tpu.memory_space<hbm>> -> memref<14x1024xi32, #tpu.memory_space<hbm>>
      tpu.wait_dma2 semaphore(%run_scoped3A : memref<!tpu.dma_semaphore, #tpu.memory_space<semaphore_mem>>) src(%dma_wait3A_327 : memref<14x1024xi32, #tpu.memory_space<hbm>>) dst(%arg7 : memref<14x1024xi32, #tpu.memory_space<vmem>>)
      tpu.yield
    }) : () -> ()
    %broadcast_in_dim3A = arith.constant 0.000000e+00 : bf16
    %broadcast_in_dim3A_1 = vector.broadcast %broadcast_in_dim3A : bf16 to vector<32xbf16>
    %swap3A = arith.constant 0 : i32
    %swap3A_2 = arith.index_cast %swap3A : i32 to index
    %swap3A_3 = arith.constant 0 : index
    %swap3A_4 = tpu.vector_load %arg10[%swap3A_2, %swap3A_3] {strides = array<i32>} : memref<16x96xbf16, #tpu.memory_space<vmem>>, vector<1x32xbf16>,
    %swap3A_5 = vector.shape_cast %swap3A_4 : vector<1x32xbf16> to vector<32xbf16>
    %swap3A_6 = vector.shape_cast %broadcast_in_dim3A_1 : vector<32xbf16> to vector<1x32xbf16>
    tpu.vector_store %arg10[%swap3A_2, %swap3A_3], %swap3A_6 {strides = array<i32>} : memref<16x96xbf16, #tpu.memory_space<vmem>>, vector<1x32xbf16>,
    %swap3A_7 = arith.constant 0 : i32
    %swap3A_8 = arith.index_cast %swap3A_7 : i32 to index
    %swap3A_9 = arith.constant 32 : index
    %swap3A_10 = tpu.vector_load %arg10[%swap3A_8, %swap3A_9] {strides = array<i32>} : memref<16x96xbf16, #tpu.memory_space<vmem>>, vector<1x32xbf16>,
    %swap3A_11 = vector.shape_cast %swap3A_10 : vector<1x32xbf16> to vector<32xbf16>
    %swap3A_12 = vector.shape_cast %broadcast_in_dim3A_1 : vector<32xbf16> to vector<1x32xbf16>
    tpu.vector_store %arg10[%swap3A_8, %swap3A_9], %swap3A_12 {strides = array<i32>} : memref<16x96xbf16, #tpu.memory_space<vmem>>, vector<1x32xbf16>,
    %swap3A_13 = arith.constant 0 : i32
    %swap3A_14 = arith.index_cast %swap3A_13 : i32 to index
    %swap3A_15 = arith.constant 64 : index
    %swap3A_16 = tpu.vector_load %arg10[%swap3A_14, %swap3A_15] {strides = array<i32>} : memref<16x96xbf16, #tpu.memory_space<vmem>>, vector<1x32xbf16>,
    %swap3A_17 = vector.shape_cast %swap3A_16 : vector<1x32xbf16> to vector<32xbf16>
    %swap3A_18 = vector.shape_cast %broadcast_in_dim3A_1 : vector<32xbf16> to vector<1x32xbf16>
    tpu.vector_store %arg10[%swap3A_14, %swap3A_15], %swap3A_18 {strides = array<i32>} : memref<16x96xbf16, #tpu.memory_space<vmem>>, vector<1x32xbf16>,
    %swap3A_19 = arith.constant 1 : i32
    %swap3A_20 = arith.index_cast %swap3A_19 : i32 to index
    %swap3A_21 = arith.constant 0 : index
    %swap3A_22 = tpu.vector_load %arg10[%swap3A_20, %swap3A_21] {strides = array<i32>} : memref<16x96xbf16, #tpu.memory_space<vmem>>, vector<1x32xbf16>,
    %swap3A_23 = vector.shape_cast %swap3A_22 : vector<1x32xbf16> to vector<32xbf16>
    %swap3A_24 = vector.shape_cast %broadcast_in_dim3A_1 : vector<32xbf16> to vector<1x32xbf16>
    tpu.vector_store %arg10[%swap3A_20, %swap3A_21], %swap3A_24 {strides = array<i32>} : memref<16x96xbf16, #tpu.memory_space<vmem>>, vector<1x32xbf16>,
    %swap3A_25 = arith.constant 1 : i32
    %swap3A_26 = arith.index_cast %swap3A_25 : i32 to index
    %swap3A_27 = arith.constant 32 : index
    %swap3A_28 = tpu.vector_load %arg10[%swap3A_26, %swap3A_27] {strides = array<i32>} : memref<16x96xbf16, #tpu.memory_space<vmem>>, vector<1x32xbf16>,
    %swap3A_29 = vector.shape_cast %swap3A_28 : vector<1x32xbf16> to vector<32xbf16>
    %swap3A_30 = vector.shape_cast %broadcast_in_dim3A_1 : vector<32xbf16> to vector<1x32xbf16>
    tpu.vector_store %arg10[%swap3A_26, %swap3A_27], %swap3A_30 {strides = array<i32>} : memref<16x96xbf16, #tpu.memory_space<vmem>>, vector<1x32xbf16>,
    %swap3A_31 = arith.constant 1 : i32
    %swap3A_32 = arith.index_cast %swap3A_31 : i32 to index
    %swap3A_33 = arith.constant 64 : index
    %swap3A_34 = tpu.vector_load %arg10[%swap3A_32, %swap3A_33] {strides = array<i32>} : memref<16x96xbf16, #tpu.memory_space<vmem>>, vector<1x32xbf16>,
    %swap3A_35 = vector.shape_cast %swap3A_34 : vector<1x32xbf16> to vector<32xbf16>
    %swap3A_36 = vector.shape_cast %broadcast_in_dim3A_1 : vector<32xbf16> to vector<1x32xbf16>
    tpu.vector_store %arg10[%swap3A_32, %swap3A_33], %swap3A_36 {strides = array<i32>} : memref<16x96xbf16, #tpu.memory_space<vmem>>, vector<1x32xbf16>,
    %swap3A_37 = arith.constant 2 : i32
    %swap3A_38 = arith.index_cast %swap3A_37 : i32 to index
    %swap3A_39 = arith.constant 0 : index
    %swap3A_40 = tpu.vector_load %arg10[%swap3A_38, %swap3A_39] {strides = array<i32>} : memref<16x96xbf16, #tpu.memory_space<vmem>>, vector<1x32xbf16>,
    %swap3A_41 = vector.shape_cast %swap3A_40 : vector<1x32xbf16> to vector<32xbf16>
    %swap3A_42 = vector.shape_cast %broadcast_in_dim3A_1 : vector<32xbf16> to vector<1x32xbf16>
    tpu.vector_store %arg10[%swap3A_38, %swap3A_39], %swap3A_42 {strides = array<i32>} : memref<16x96xbf16, #tpu.memory_space<vmem>>, vector<1x32xbf16>,
    %swap3A_43 = arith.constant 2 : i32
    %swap3A_44 = arith.index_cast %swap3A_43 : i32 to index
    %swap3A_45 = arith.constant 32 : index
    %swap3A_46 = tpu.vector_load %arg10[%swap3A_44, %swap3A_45] {strides = array<i32>} : memref<16x96xbf16, #tpu.memory_space<vmem>>, vector<1x32xbf16>,
    %swap3A_47 = vector.shape_cast %swap3A_46 : vector<1x32xbf16> to vector<32xbf16>
    %swap3A_48 = vector.shape_cast %broadcast_in_dim3A_1 : vector<32xbf16> to vector<1x32xbf16>
    tpu.vector_store %arg10[%swap3A_44, %swap3A_45], %swap3A_48 {strides = array<i32>} : memref<16x96xbf16, #tpu.memory_space<vmem>>, vector<1x32xbf16>,
    %swap3A_49 = arith.constant 2 : i32
    %swap3A_50 = arith.index_cast %swap3A_49 : i32 to index
    %swap3A_51 = arith.constant 64 : index
    %swap3A_52 = tpu.vector_load %arg10[%swap3A_50, %swap3A_51] {strides = array<i32>} : memref<16x96xbf16, #tpu.memory_space<vmem>>, vector<1x32xbf16>,
    %swap3A_53 = vector.shape_cast %swap3A_52 : vector<1x32xbf16> to vector<32xbf16>
    %swap3A_54 = vector.shape_cast %broadcast_in_dim3A_1 : vector<32xbf16> to vector<1x32xbf16>
    tpu.vector_store %arg10[%swap3A_50, %swap3A_51], %swap3A_54 {strides = array<i32>} : memref<16x96xbf16, #tpu.memory_space<vmem>>, vector<1x32xbf16>,
    %swap3A_55 = arith.constant 3 : i32
    %swap3A_56 = arith.index_cast %swap3A_55 : i32 to index
    %swap3A_57 = arith.constant 0 : index
    %swap3A_58 = tpu.vector_load %arg10[%swap3A_56, %swap3A_57] {strides = array<i32>} : memref<16x96xbf16, #tpu.memory_space<vmem>>, vector<1x32xbf16>,
    %swap3A_59 = vector.shape_cast %swap3A_58 : vector<1x32xbf16> to vector<32xbf16>
    %swap3A_60 = vector.shape_cast %broadcast_in_dim3A_1 : vector<32xbf16> to vector<1x32xbf16>
    tpu.vector_store %arg10[%swap3A_56, %swap3A_57], %swap3A_60 {strides = array<i32>} : memref<16x96xbf16, #tpu.memory_space<vmem>>, vector<1x32xbf16>,
    %swap3A_61 = arith.constant 3 : i32
    %swap3A_62 = arith.index_cast %swap3A_61 : i32 to index
    %swap3A_63 = arith.constant 32 : index
    %swap3A_64 = tpu.vector_load %arg10[%swap3A_62, %swap3A_63] {strides = array<i32>} : memref<16x96xbf16, #tpu.memory_space<vmem>>, vector<1x32xbf16>,
    %swap3A_65 = vector.shape_cast %swap3A_64 : vector<1x32xbf16> to vector<32xbf16>
    %swap3A_66 = vector.shape_cast %broadcast_in_dim3A_1 : vector<32xbf16> to vector<1x32xbf16>
    tpu.vector_store %arg10[%swap3A_62, %swap3A_63], %swap3A_66 {strides = array<i32>} : memref<16x96xbf16, #tpu.memory_space<vmem>>, vector<1x32xbf16>,
    %swap3A_67 = arith.constant 3 : i32
    %swap3A_68 = arith.index_cast %swap3A_67 : i32 to index
    %swap3A_69 = arith.constant 64 : index
    %swap3A_70 = tpu.vector_load %arg10[%swap3A_68, %swap3A_69] {strides = array<i32>} : memref<16x96xbf16, #tpu.memory_space<vmem>>, vector<1x32xbf16>,
    %swap3A_71 = vector.shape_cast %swap3A_70 : vector<1x32xbf16> to vector<32xbf16>
    %swap3A_72 = vector.shape_cast %broadcast_in_dim3A_1 : vector<32xbf16> to vector<1x32xbf16>
    tpu.vector_store %arg10[%swap3A_68, %swap3A_69], %swap3A_72 {strides = array<i32>} : memref<16x96xbf16, #tpu.memory_space<vmem>>, vector<1x32xbf16>,
    %swap3A_73 = arith.constant 4 : i32
    %swap3A_74 = arith.index_cast %swap3A_73 : i32 to index
    %swap3A_75 = arith.constant 0 : index
    %swap3A_76 = tpu.vector_load %arg10[%swap3A_74, %swap3A_75] {strides = array<i32>} : memref<16x96xbf16, #tpu.memory_space<vmem>>, vector<1x32xbf16>,
    %swap3A_77 = vector.shape_cast %swap3A_76 : vector<1x32xbf16> to vector<32xbf16>
    %swap3A_78 = vector.shape_cast %broadcast_in_dim3A_1 : vector<32xbf16> to vector<1x32xbf16>
    tpu.vector_store %arg10[%swap3A_74, %swap3A_75], %swap3A_78 {strides = array<i32>} : memref<16x96xbf16, #tpu.memory_space<vmem>>, vector<1x32xbf16>,
    %swap3A_79 = arith.constant 4 : i32
    %swap3A_80 = arith.index_cast %swap3A_79 : i32 to index
    %swap3A_81 = arith.constant 32 : index
    %swap3A_82 = tpu.vector_load %arg10[%swap3A_80, %swap3A_81] {strides = array<i32>} : memref<16x96xbf16, #tpu.memory_space<vmem>>, vector<1x32xbf16>,
    %swap3A_83 = vector.shape_cast %swap3A_82 : vector<1x32xbf16> to vector<32xbf16>
    %swap3A_84 = vector.shape_cast %broadcast_in_dim3A_1 : vector<32xbf16> to vector<1x32xbf16>
    tpu.vector_store %arg10[%swap3A_80, %swap3A_81], %swap3A_84 {strides = array<i32>} : memref<16x96xbf16, #tpu.memory_space<vmem>>, vector<1x32xbf16>,
    %swap3A_85 = arith.constant 4 : i32
    %swap3A_86 = arith.index_cast %swap3A_85 : i32 to index
    %swap3A_87 = arith.constant 64 : index
    %swap3A_88 = tpu.vector_load %arg10[%swap3A_86, %swap3A_87] {strides = array<i32>} : memref<16x96xbf16, #tpu.memory_space<vmem>>, vector<1x32xbf16>,
    %swap3A_89 = vector.shape_cast %swap3A_88 : vector<1x32xbf16> to vector<32xbf16>
    %swap3A_90 = vector.shape_cast %broadcast_in_dim3A_1 : vector<32xbf16> to vector<1x32xbf16>
    tpu.vector_store %arg10[%swap3A_86, %swap3A_87], %swap3A_90 {strides = array<i32>} : memref<16x96xbf16, #tpu.memory_space<vmem>>, vector<1x32xbf16>,
    %swap3A_91 = arith.constant 5 : i32
    %swap3A_92 = arith.index_cast %swap3A_91 : i32 to index
    %swap3A_93 = arith.constant 0 : index
    %swap3A_94 = tpu.vector_load %arg10[%swap3A_92, %swap3A_93] {strides = array<i32>} : memref<16x96xbf16, #tpu.memory_space<vmem>>, vector<1x32xbf16>,
    %swap3A_95 = vector.shape_cast %swap3A_94 : vector<1x32xbf16> to vector<32xbf16>
    %swap3A_96 = vector.shape_cast %broadcast_in_dim3A_1 : vector<32xbf16> to vector<1x32xbf16>
    tpu.vector_store %arg10[%swap3A_92, %swap3A_93], %swap3A_96 {strides = array<i32>} : memref<16x96xbf16, #tpu.memory_space<vmem>>, vector<1x32xbf16>,
    %swap3A_97 = arith.constant 5 : i32
    %swap3A_98 = arith.index_cast %swap3A_97 : i32 to index
    %swap3A_99 = arith.constant 32 : index
    %swap3A_100 = tpu.vector_load %arg10[%swap3A_98, %swap3A_99] {strides = array<i32>} : memref<16x96xbf16, #tpu.memory_space<vmem>>, vector<1x32xbf16>,
    %swap3A_101 = vector.shape_cast %swap3A_100 : vector<1x32xbf16> to vector<32xbf16>
    %swap3A_102 = vector.shape_cast %broadcast_in_dim3A_1 : vector<32xbf16> to vector<1x32xbf16>
    tpu.vector_store %arg10[%swap3A_98, %swap3A_99], %swap3A_102 {strides = array<i32>} : memref<16x96xbf16, #tpu.memory_space<vmem>>, vector<1x32xbf16>,
    %swap3A_103 = arith.constant 5 : i32
    %swap3A_104 = arith.index_cast %swap3A_103 : i32 to index
    %swap3A_105 = arith.constant 64 : index
    %swap3A_106 = tpu.vector_load %arg10[%swap3A_104, %swap3A_105] {strides = array<i32>} : memref<16x96xbf16, #tpu.memory_space<vmem>>, vector<1x32xbf16>,
    %swap3A_107 = vector.shape_cast %swap3A_106 : vector<1x32xbf16> to vector<32xbf16>
    %swap3A_108 = vector.shape_cast %broadcast_in_dim3A_1 : vector<32xbf16> to vector<1x32xbf16>
    tpu.vector_store %arg10[%swap3A_104, %swap3A_105], %swap3A_108 {strides = array<i32>} : memref<16x96xbf16, #tpu.memory_space<vmem>>, vector<1x32xbf16>,
    %swap3A_109 = arith.constant 6 : i32
    %swap3A_110 = arith.index_cast %swap3A_109 : i32 to index
    %swap3A_111 = arith.constant 0 : index
    %swap3A_112 = tpu.vector_load %arg10[%swap3A_110, %swap3A_111] {strides = array<i32>} : memref<16x96xbf16, #tpu.memory_space<vmem>>, vector<1x32xbf16>,
    %swap3A_113 = vector.shape_cast %swap3A_112 : vector<1x32xbf16> to vector<32xbf16>
    %swap3A_114 = vector.shape_cast %broadcast_in_dim3A_1 : vector<32xbf16> to vector<1x32xbf16>
    tpu.vector_store %arg10[%swap3A_110, %swap3A_111], %swap3A_114 {strides = array<i32>} : memref<16x96xbf16, #tpu.memory_space<vmem>>, vector<1x32xbf16>,
    %swap3A_115 = arith.constant 6 : i32
    %swap3A_116 = arith.index_cast %swap3A_115 : i32 to index
    %swap3A_117 = arith.constant 32 : index
    %swap3A_118 = tpu.vector_load %arg10[%swap3A_116, %swap3A_117] {strides = array<i32>} : memref<16x96xbf16, #tpu.memory_space<vmem>>, vector<1x32xbf16>,
    %swap3A_119 = vector.shape_cast %swap3A_118 : vector<1x32xbf16> to vector<32xbf16>
    %swap3A_120 = vector.shape_cast %broadcast_in_dim3A_1 : vector<32xbf16> to vector<1x32xbf16>
    tpu.vector_store %arg10[%swap3A_116, %swap3A_117], %swap3A_120 {strides = array<i32>} : memref<16x96xbf16, #tpu.memory_space<vmem>>, vector<1x32xbf16>,
    %swap3A_121 = arith.constant 6 : i32
    %swap3A_122 = arith.index_cast %swap3A_121 : i32 to index
    %swap3A_123 = arith.constant 64 : index
    %swap3A_124 = tpu.vector_load %arg10[%swap3A_122, %swap3A_123] {strides = array<i32>} : memref<16x96xbf16, #tpu.memory_space<vmem>>, vector<1x32xbf16>,
    %swap3A_125 = vector.shape_cast %swap3A_124 : vector<1x32xbf16> to vector<32xbf16>
    %swap3A_126 = vector.shape_cast %broadcast_in_dim3A_1 : vector<32xbf16> to vector<1x32xbf16>
    tpu.vector_store %arg10[%swap3A_122, %swap3A_123], %swap3A_126 {strides = array<i32>} : memref<16x96xbf16, #tpu.memory_space<vmem>>, vector<1x32xbf16>,
    %swap3A_127 = arith.constant 7 : i32
    %swap3A_128 = arith.index_cast %swap3A_127 : i32 to index
    %swap3A_129 = arith.constant 0 : index
    %swap3A_130 = tpu.vector_load %arg10[%swap3A_128, %swap3A_129] {strides = array<i32>} : memref<16x96xbf16, #tpu.memory_space<vmem>>, vector<1x32xbf16>,
    %swap3A_131 = vector.shape_cast %swap3A_130 : vector<1x32xbf16> to vector<32xbf16>
    %swap3A_132 = vector.shape_cast %broadcast_in_dim3A_1 : vector<32xbf16> to vector<1x32xbf16>
    tpu.vector_store %arg10[%swap3A_128, %swap3A_129], %swap3A_132 {strides = array<i32>} : memref<16x96xbf16, #tpu.memory_space<vmem>>, vector<1x32xbf16>,
    %swap3A_133 = arith.constant 7 : i32
    %swap3A_134 = arith.index_cast %swap3A_133 : i32 to index
    %swap3A_135 = arith.constant 32 : index
    %swap3A_136 = tpu.vector_load %arg10[%swap3A_134, %swap3A_135] {strides = array<i32>} : memref<16x96xbf16, #tpu.memory_space<vmem>>, vector<1x32xbf16>,
    %swap3A_137 = vector.shape_cast %swap3A_136 : vector<1x32xbf16> to vector<32xbf16>
    %swap3A_138 = vector.shape_cast %broadcast_in_dim3A_1 : vector<32xbf16> to vector<1x32xbf16>
    tpu.vector_store %arg10[%swap3A_134, %swap3A_135], %swap3A_138 {strides = array<i32>} : memref<16x96xbf16, #tpu.memory_space<vmem>>, vector<1x32xbf16>,
    %swap3A_139 = arith.constant 7 : i32
    %swap3A_140 = arith.index_cast %swap3A_139 : i32 to index
    %swap3A_141 = arith.constant 64 : index
    %swap3A_142 = tpu.vector_load %arg10[%swap3A_140, %swap3A_141] {strides = array<i32>} : memref<16x96xbf16, #tpu.memory_space<vmem>>, vector<1x32xbf16>,
    %swap3A_143 = vector.shape_cast %swap3A_142 : vector<1x32xbf16> to vector<32xbf16>
    %swap3A_144 = vector.shape_cast %broadcast_in_dim3A_1 : vector<32xbf16> to vector<1x32xbf16>
    tpu.vector_store %arg10[%swap3A_140, %swap3A_141], %swap3A_144 {strides = array<i32>} : memref<16x96xbf16, #tpu.memory_space<vmem>>, vector<1x32xbf16>,
    %swap3A_145 = arith.constant 8 : i32
    %swap3A_146 = arith.index_cast %swap3A_145 : i32 to index
    %swap3A_147 = arith.constant 0 : index
    %swap3A_148 = tpu.vector_load %arg10[%swap3A_146, %swap3A_147] {strides = array<i32>} : memref<16x96xbf16, #tpu.memory_space<vmem>>, vector<1x32xbf16>,
    %swap3A_149 = vector.shape_cast %swap3A_148 : vector<1x32xbf16> to vector<32xbf16>
    %swap3A_150 = vector.shape_cast %broadcast_in_dim3A_1 : vector<32xbf16> to vector<1x32xbf16>
    tpu.vector_store %arg10[%swap3A_146, %swap3A_147], %swap3A_150 {strides = array<i32>} : memref<16x96xbf16, #tpu.memory_space<vmem>>, vector<1x32xbf16>,
    %swap3A_151 = arith.constant 8 : i32
    %swap3A_152 = arith.index_cast %swap3A_151 : i32 to index
    %swap3A_153 = arith.constant 32 : index
    %swap3A_154 = tpu.vector_load %arg10[%swap3A_152, %swap3A_153] {strides = array<i32>} : memref<16x96xbf16, #tpu.memory_space<vmem>>, vector<1x32xbf16>,
    %swap3A_155 = vector.shape_cast %swap3A_154 : vector<1x32xbf16> to vector<32xbf16>
    %swap3A_156 = vector.shape_cast %broadcast_in_dim3A_1 : vector<32xbf16> to vector<1x32xbf16>
    tpu.vector_store %arg10[%swap3A_152, %swap3A_153], %swap3A_156 {strides = array<i32>} : memref<16x96xbf16, #tpu.memory_space<vmem>>, vector<1x32xbf16>,
    %swap3A_157 = arith.constant 8 : i32
    %swap3A_158 = arith.index_cast %swap3A_157 : i32 to index
    %swap3A_159 = arith.constant 64 : index
    %swap3A_160 = tpu.vector_load %arg10[%swap3A_158, %swap3A_159] {strides = array<i32>} : memref<16x96xbf16, #tpu.memory_space<vmem>>, vector<1x32xbf16>,
    %swap3A_161 = vector.shape_cast %swap3A_160 : vector<1x32xbf16> to vector<32xbf16>
    %swap3A_162 = vector.shape_cast %broadcast_in_dim3A_1 : vector<32xbf16> to vector<1x32xbf16>
    tpu.vector_store %arg10[%swap3A_158, %swap3A_159], %swap3A_162 {strides = array<i32>} : memref<16x96xbf16, #tpu.memory_space<vmem>>, vector<1x32xbf16>,
    %swap3A_163 = arith.constant 9 : i32
    %swap3A_164 = arith.index_cast %swap3A_163 : i32 to index
    %swap3A_165 = arith.constant 0 : index
    %swap3A_166 = tpu.vector_load %arg10[%swap3A_164, %swap3A_165] {strides = array<i32>} : memref<16x96xbf16, #tpu.memory_space<vmem>>, vector<1x32xbf16>,
    %swap3A_167 = vector.shape_cast %swap3A_166 : vector<1x32xbf16> to vector<32xbf16>
    %swap3A_168 = vector.shape_cast %broadcast_in_dim3A_1 : vector<32xbf16> to vector<1x32xbf16>
    tpu.vector_store %arg10[%swap3A_164, %swap3A_165], %swap3A_168 {strides = array<i32>} : memref<16x96xbf16, #tpu.memory_space<vmem>>, vector<1x32xbf16>,
    %swap3A_169 = arith.constant 9 : i32
    %swap3A_170 = arith.index_cast %swap3A_169 : i32 to index
    %swap3A_171 = arith.constant 32 : index
    %swap3A_172 = tpu.vector_load %arg10[%swap3A_170, %swap3A_171] {strides = array<i32>} : memref<16x96xbf16, #tpu.memory_space<vmem>>, vector<1x32xbf16>,
    %swap3A_173 = vector.shape_cast %swap3A_172 : vector<1x32xbf16> to vector<32xbf16>
    %swap3A_174 = vector.shape_cast %broadcast_in_dim3A_1 : vector<32xbf16> to vector<1x32xbf16>
    tpu.vector_store %arg10[%swap3A_170, %swap3A_171], %swap3A_174 {strides = array<i32>} : memref<16x96xbf16, #tpu.memory_space<vmem>>, vector<1x32xbf16>,
    %swap3A_175 = arith.constant 9 : i32
    %swap3A_176 = arith.index_cast %swap3A_175 : i32 to index
    %swap3A_177 = arith.constant 64 : index
    %swap3A_178 = tpu.vector_load %arg10[%swap3A_176, %swap3A_177] {strides = array<i32>} : memref<16x96xbf16, #tpu.memory_space<vmem>>, vector<1x32xbf16>,
    %swap3A_179 = vector.shape_cast %swap3A_178 : vector<1x32xbf16> to vector<32xbf16>
    %swap3A_180 = vector.shape_cast %broadcast_in_dim3A_1 : vector<32xbf16> to vector<1x32xbf16>
    tpu.vector_store %arg10[%swap3A_176, %swap3A_177], %swap3A_180 {strides = array<i32>} : memref<16x96xbf16, #tpu.memory_space<vmem>>, vector<1x32xbf16>,
    %swap3A_181 = arith.constant 10 : i32
    %swap3A_182 = arith.index_cast %swap3A_181 : i32 to index
    %swap3A_183 = arith.constant 0 : index
    %swap3A_184 = tpu.vector_load %arg10[%swap3A_182, %swap3A_183] {strides = array<i32>} : memref<16x96xbf16, #tpu.memory_space<vmem>>, vector<1x32xbf16>,
    %swap3A_185 = vector.shape_cast %swap3A_184 : vector<1x32xbf16> to vector<32xbf16>
    %swap3A_186 = vector.shape_cast %broadcast_in_dim3A_1 : vector<32xbf16> to vector<1x32xbf16>
    tpu.vector_store %arg10[%swap3A_182, %swap3A_183], %swap3A_186 {strides = array<i32>} : memref<16x96xbf16, #tpu.memory_space<vmem>>, vector<1x32xbf16>,
    %swap3A_187 = arith.constant 10 : i32
    %swap3A_188 = arith.index_cast %swap3A_187 : i32 to index
    %swap3A_189 = arith.constant 32 : index
    %swap3A_190 = tpu.vector_load %arg10[%swap3A_188, %swap3A_189] {strides = array<i32>} : memref<16x96xbf16, #tpu.memory_space<vmem>>, vector<1x32xbf16>,
    %swap3A_191 = vector.shape_cast %swap3A_190 : vector<1x32xbf16> to vector<32xbf16>
    %swap3A_192 = vector.shape_cast %broadcast_in_dim3A_1 : vector<32xbf16> to vector<1x32xbf16>
    tpu.vector_store %arg10[%swap3A_188, %swap3A_189], %swap3A_192 {strides = array<i32>} : memref<16x96xbf16, #tpu.memory_space<vmem>>, vector<1x32xbf16>,
    %swap3A_193 = arith.constant 10 : i32
    %swap3A_194 = arith.index_cast %swap3A_193 : i32 to index
    %swap3A_195 = arith.constant 64 : index
    %swap3A_196 = tpu.vector_load %arg10[%swap3A_194, %swap3A_195] {strides = array<i32>} : memref<16x96xbf16, #tpu.memory_space<vmem>>, vector<1x32xbf16>,
    %swap3A_197 = vector.shape_cast %swap3A_196 : vector<1x32xbf16> to vector<32xbf16>
    %swap3A_198 = vector.shape_cast %broadcast_in_dim3A_1 : vector<32xbf16> to vector<1x32xbf16>
    tpu.vector_store %arg10[%swap3A_194, %swap3A_195], %swap3A_198 {strides = array<i32>} : memref<16x96xbf16, #tpu.memory_space<vmem>>, vector<1x32xbf16>,
    %swap3A_199 = arith.constant 11 : i32
    %swap3A_200 = arith.index_cast %swap3A_199 : i32 to index
    %swap3A_201 = arith.constant 0 : index
    %swap3A_202 = tpu.vector_load %arg10[%swap3A_200, %swap3A_201] {strides = array<i32>} : memref<16x96xbf16, #tpu.memory_space<vmem>>, vector<1x32xbf16>,
    %swap3A_203 = vector.shape_cast %swap3A_202 : vector<1x32xbf16> to vector<32xbf16>
    %swap3A_204 = vector.shape_cast %broadcast_in_dim3A_1 : vector<32xbf16> to vector<1x32xbf16>
    tpu.vector_store %arg10[%swap3A_200, %swap3A_201], %swap3A_204 {strides = array<i32>} : memref<16x96xbf16, #tpu.memory_space<vmem>>, vector<1x32xbf16>,
    %swap3A_205 = arith.constant 11 : i32
    %swap3A_206 = arith.index_cast %swap3A_205 : i32 to index
    %swap3A_207 = arith.constant 32 : index
    %swap3A_208 = tpu.vector_load %arg10[%swap3A_206, %swap3A_207] {strides = array<i32>} : memref<16x96xbf16, #tpu.memory_space<vmem>>, vector<1x32xbf16>,
    %swap3A_209 = vector.shape_cast %swap3A_208 : vector<1x32xbf16> to vector<32xbf16>
    %swap3A_210 = vector.shape_cast %broadcast_in_dim3A_1 : vector<32xbf16> to vector<1x32xbf16>
    tpu.vector_store %arg10[%swap3A_206, %swap3A_207], %swap3A_210 {strides = array<i32>} : memref<16x96xbf16, #tpu.memory_space<vmem>>, vector<1x32xbf16>,
    %swap3A_211 = arith.constant 11 : i32
    %swap3A_212 = arith.index_cast %swap3A_211 : i32 to index
    %swap3A_213 = arith.constant 64 : index
    %swap3A_214 = tpu.vector_load %arg10[%swap3A_212, %swap3A_213] {strides = array<i32>} : memref<16x96xbf16, #tpu.memory_space<vmem>>, vector<1x32xbf16>,
    %swap3A_215 = vector.shape_cast %swap3A_214 : vector<1x32xbf16> to vector<32xbf16>
    %swap3A_216 = vector.shape_cast %broadcast_in_dim3A_1 : vector<32xbf16> to vector<1x32xbf16>
    tpu.vector_store %arg10[%swap3A_212, %swap3A_213], %swap3A_216 {strides = array<i32>} : memref<16x96xbf16, #tpu.memory_space<vmem>>, vector<1x32xbf16>,
    %swap3A_217 = arith.constant 12 : i32
    %swap3A_218 = arith.index_cast %swap3A_217 : i32 to index
    %swap3A_219 = arith.constant 0 : index
    %swap3A_220 = tpu.vector_load %arg10[%swap3A_218, %swap3A_219] {strides = array<i32>} : memref<16x96xbf16, #tpu.memory_space<vmem>>, vector<1x32xbf16>,
    %swap3A_221 = vector.shape_cast %swap3A_220 : vector<1x32xbf16> to vector<32xbf16>
    %swap3A_222 = vector.shape_cast %broadcast_in_dim3A_1 : vector<32xbf16> to vector<1x32xbf16>
    tpu.vector_store %arg10[%swap3A_218, %swap3A_219], %swap3A_222 {strides = array<i32>} : memref<16x96xbf16, #tpu.memory_space<vmem>>, vector<1x32xbf16>,
    %swap3A_223 = arith.constant 12 : i32
    %swap3A_224 = arith.index_cast %swap3A_223 : i32 to index
    %swap3A_225 = arith.constant 32 : index
    %swap3A_226 = tpu.vector_load %arg10[%swap3A_224, %swap3A_225] {strides = array<i32>} : memref<16x96xbf16, #tpu.memory_space<vmem>>, vector<1x32xbf16>,
    %swap3A_227 = vector.shape_cast %swap3A_226 : vector<1x32xbf16> to vector<32xbf16>
    %swap3A_228 = vector.shape_cast %broadcast_in_dim3A_1 : vector<32xbf16> to vector<1x32xbf16>
    tpu.vector_store %arg10[%swap3A_224, %swap3A_225], %swap3A_228 {strides = array<i32>} : memref<16x96xbf16, #tpu.memory_space<vmem>>, vector<1x32xbf16>,
    %swap3A_229 = arith.constant 12 : i32
    %swap3A_230 = arith.index_cast %swap3A_229 : i32 to index
    %swap3A_231 = arith.constant 64 : index
    %swap3A_232 = tpu.vector_load %arg10[%swap3A_230, %swap3A_231] {strides = array<i32>} : memref<16x96xbf16, #tpu.memory_space<vmem>>, vector<1x32xbf16>,
    %swap3A_233 = vector.shape_cast %swap3A_232 : vector<1x32xbf16> to vector<32xbf16>
    %swap3A_234 = vector.shape_cast %broadcast_in_dim3A_1 : vector<32xbf16> to vector<1x32xbf16>
    tpu.vector_store %arg10[%swap3A_230, %swap3A_231], %swap3A_234 {strides = array<i32>} : memref<16x96xbf16, #tpu.memory_space<vmem>>, vector<1x32xbf16>,
    %swap3A_235 = arith.constant 13 : i32
    %swap3A_236 = arith.index_cast %swap3A_235 : i32 to index
    %swap3A_237 = arith.constant 0 : index
    %swap3A_238 = tpu.vector_load %arg10[%swap3A_236, %swap3A_237] {strides = array<i32>} : memref<16x96xbf16, #tpu.memory_space<vmem>>, vector<1x32xbf16>,
    %swap3A_239 = vector.shape_cast %swap3A_238 : vector<1x32xbf16> to vector<32xbf16>
    %swap3A_240 = vector.shape_cast %broadcast_in_dim3A_1 : vector<32xbf16> to vector<1x32xbf16>
    tpu.vector_store %arg10[%swap3A_236, %swap3A_237], %swap3A_240 {strides = array<i32>} : memref<16x96xbf16, #tpu.memory_space<vmem>>, vector<1x32xbf16>,
    %swap3A_241 = arith.constant 13 : i32
    %swap3A_242 = arith.index_cast %swap3A_241 : i32 to index
    %swap3A_243 = arith.constant 32 : index
    %swap3A_244 = tpu.vector_load %arg10[%swap3A_242, %swap3A_243] {strides = array<i32>} : memref<16x96xbf16, #tpu.memory_space<vmem>>, vector<1x32xbf16>,
    %swap3A_245 = vector.shape_cast %swap3A_244 : vector<1x32xbf16> to vector<32xbf16>
    %swap3A_246 = vector.shape_cast %broadcast_in_dim3A_1 : vector<32xbf16> to vector<1x32xbf16>
    tpu.vector_store %arg10[%swap3A_242, %swap3A_243], %swap3A_246 {strides = array<i32>} : memref<16x96xbf16, #tpu.memory_space<vmem>>, vector<1x32xbf16>,
    %swap3A_247 = arith.constant 13 : i32
    %swap3A_248 = arith.index_cast %swap3A_247 : i32 to index
    %swap3A_249 = arith.constant 64 : index
    %swap3A_250 = tpu.vector_load %arg10[%swap3A_248, %swap3A_249] {strides = array<i32>} : memref<16x96xbf16, #tpu.memory_space<vmem>>, vector<1x32xbf16>,
    %swap3A_251 = vector.shape_cast %swap3A_250 : vector<1x32xbf16> to vector<32xbf16>
    %swap3A_252 = vector.shape_cast %broadcast_in_dim3A_1 : vector<32xbf16> to vector<1x32xbf16>
    tpu.vector_store %arg10[%swap3A_248, %swap3A_249], %swap3A_252 {strides = array<i32>} : memref<16x96xbf16, #tpu.memory_space<vmem>>, vector<1x32xbf16>,
    %swap3A_253 = arith.constant 14 : i32
    %swap3A_254 = arith.index_cast %swap3A_253 : i32 to index
    %swap3A_255 = arith.constant 0 : index
    %swap3A_256 = tpu.vector_load %arg10[%swap3A_254, %swap3A_255] {strides = array<i32>} : memref<16x96xbf16, #tpu.memory_space<vmem>>, vector<1x32xbf16>,
    %swap3A_257 = vector.shape_cast %swap3A_256 : vector<1x32xbf16> to vector<32xbf16>
    %swap3A_258 = vector.shape_cast %broadcast_in_dim3A_1 : vector<32xbf16> to vector<1x32xbf16>
    tpu.vector_store %arg10[%swap3A_254, %swap3A_255], %swap3A_258 {strides = array<i32>} : memref<16x96xbf16, #tpu.memory_space<vmem>>, vector<1x32xbf16>,
    %swap3A_259 = arith.constant 14 : i32
    %swap3A_260 = arith.index_cast %swap3A_259 : i32 to index
    %swap3A_261 = arith.constant 32 : index
    %swap3A_262 = tpu.vector_load %arg10[%swap3A_260, %swap3A_261] {strides = array<i32>} : memref<16x96xbf16, #tpu.memory_space<vmem>>, vector<1x32xbf16>,
    %swap3A_263 = vector.shape_cast %swap3A_262 : vector<1x32xbf16> to vector<32xbf16>
    %swap3A_264 = vector.shape_cast %broadcast_in_dim3A_1 : vector<32xbf16> to vector<1x32xbf16>
    tpu.vector_store %arg10[%swap3A_260, %swap3A_261], %swap3A_264 {strides = array<i32>} : memref<16x96xbf16, #tpu.memory_space<vmem>>, vector<1x32xbf16>,
    %swap3A_265 = arith.constant 14 : i32
    %swap3A_266 = arith.index_cast %swap3A_265 : i32 to index
    %swap3A_267 = arith.constant 64 : index
    %swap3A_268 = tpu.vector_load %arg10[%swap3A_266, %swap3A_267] {strides = array<i32>} : memref<16x96xbf16, #tpu.memory_space<vmem>>, vector<1x32xbf16>,
    %swap3A_269 = vector.shape_cast %swap3A_268 : vector<1x32xbf16> to vector<32xbf16>
    %swap3A_270 = vector.shape_cast %broadcast_in_dim3A_1 : vector<32xbf16> to vector<1x32xbf16>
    tpu.vector_store %arg10[%swap3A_266, %swap3A_267], %swap3A_270 {strides = array<i32>} : memref<16x96xbf16, #tpu.memory_space<vmem>>, vector<1x32xbf16>,
    %swap3A_271 = arith.constant 15 : i32
    %swap3A_272 = arith.index_cast %swap3A_271 : i32 to index
    %swap3A_273 = arith.constant 0 : index
    %swap3A_274 = tpu.vector_load %arg10[%swap3A_272, %swap3A_273] {strides = array<i32>} : memref<16x96xbf16, #tpu.memory_space<vmem>>, vector<1x32xbf16>,
    %swap3A_275 = vector.shape_cast %swap3A_274 : vector<1x32xbf16> to vector<32xbf16>
    %swap3A_276 = vector.shape_cast %broadcast_in_dim3A_1 : vector<32xbf16> to vector<1x32xbf16>
    tpu.vector_store %arg10[%swap3A_272, %swap3A_273], %swap3A_276 {strides = array<i32>} : memref<16x96xbf16, #tpu.memory_space<vmem>>, vector<1x32xbf16>,
    %swap3A_277 = arith.constant 15 : i32
    %swap3A_278 = arith.index_cast %swap3A_277 : i32 to index
    %swap3A_279 = arith.constant 32 : index
    %swap3A_280 = tpu.vector_load %arg10[%swap3A_278, %swap3A_279] {strides = array<i32>} : memref<16x96xbf16, #tpu.memory_space<vmem>>, vector<1x32xbf16>,
    %swap3A_281 = vector.shape_cast %swap3A_280 : vector<1x32xbf16> to vector<32xbf16>
    %swap3A_282 = vector.shape_cast %broadcast_in_dim3A_1 : vector<32xbf16> to vector<1x32xbf16>
    tpu.vector_store %arg10[%swap3A_278, %swap3A_279], %swap3A_282 {strides = array<i32>} : memref<16x96xbf16, #tpu.memory_space<vmem>>, vector<1x32xbf16>,
    %swap3A_283 = arith.constant 15 : i32
    %swap3A_284 = arith.index_cast %swap3A_283 : i32 to index
    %swap3A_285 = arith.constant 64 : index
    %swap3A_286 = tpu.vector_load %arg10[%swap3A_284, %swap3A_285] {strides = array<i32>} : memref<16x96xbf16, #tpu.memory_space<vmem>>, vector<1x32xbf16>,
    %swap3A_287 = vector.shape_cast %swap3A_286 : vector<1x32xbf16> to vector<32xbf16>
    %swap3A_288 = vector.shape_cast %broadcast_in_dim3A_1 : vector<32xbf16> to vector<1x32xbf16>
    tpu.vector_store %arg10[%swap3A_284, %swap3A_285], %swap3A_288 {strides = array<i32>} : memref<16x96xbf16, #tpu.memory_space<vmem>>, vector<1x32xbf16>,
    %mul3A_289 = arith.constant 640 : i32
    %mul3A_290 = arith.muli %arg1, %mul3A_289 : i32
    "tpu.trace_start"() <{level = 10 : i32, message = "agg_zero"}> : () -> ()
    %scan3A = arith.constant 0 : i32
    %scan3A_291 = arith.constant 0 : i32
    %scan3A_292 = arith.constant 40 : i32
    %scan3A_293 = arith.addi %scan3A_291, %scan3A_292 : i32
    %scan3A_294 = arith.constant 1 : i32
    scf.for %scan3A_314 = %scan3A_291 to %scan3A_293 step %scan3A_294  : i32 {
      %mul3A_315 = arith.constant 16 : i32
      %mul3A_316 = arith.muli %scan3A_314, %mul3A_315 : i32
      %add3A_317 = arith.addi %mul3A_290, %mul3A_316 : i32
      "tpu.region"() ({
        %run_scoped3A = tpu.sem_alloc : memref<!tpu.dma_semaphore, #tpu.memory_space<semaphore_mem>>
        %dma_start3A = arith.constant 0 : i32
        %dma_start3A_318 = tpu.memref_slice %arg11[%add3A_317, %dma_start3A] : memref<10240x96xbf16, #tpu.memory_space<vmem_shared>> -> memref<16x96xbf16, #tpu.memory_space<vmem_shared>>
        %dma_start3A_319 = arith.constant 0 : i32
        %dma_start3A_320 = tpu.memref_slice %arg11[%add3A_317, %dma_start3A_319] : memref<10240x96xbf16, #tpu.memory_space<vmem_shared>> -> memref<16x96xbf16, #tpu.memory_space<vmem_shared>>
        tpu.enqueue_dma source(%arg10 : memref<16x96xbf16, #tpu.memory_space<vmem>>) target(%dma_start3A_320 : memref<16x96xbf16, #tpu.memory_space<vmem_shared>>) target_semaphore(%run_scoped3A : memref<!tpu.dma_semaphore, #tpu.memory_space<semaphore_mem>>)
        %dma_wait3A = arith.constant 0 : i32
        %dma_wait3A_321 = tpu.memref_slice %arg11[%add3A_317, %dma_wait3A] : memref<10240x96xbf16, #tpu.memory_space<vmem_shared>> -> memref<16x96xbf16, #tpu.memory_space<vmem_shared>>
        %dma_wait3A_322 = arith.constant 0 : i32
        %dma_wait3A_323 = tpu.memref_slice %arg11[%add3A_317, %dma_wait3A_322] : memref<10240x96xbf16, #tpu.memory_space<vmem_shared>> -> memref<16x96xbf16, #tpu.memory_space<vmem_shared>>
        tpu.wait_dma2 semaphore(%run_scoped3A : memref<!tpu.dma_semaphore, #tpu.memory_space<semaphore_mem>>) src(%arg10 : memref<16x96xbf16, #tpu.memory_space<vmem>>) dst(%dma_wait3A_323 : memref<16x96xbf16, #tpu.memory_space<vmem_shared>>)
        tpu.yield
      }) : () -> ()
    }
    %scan3A_295 = arith.constant 40 : i32
    %barrier3A = arith.constant 0 : index
    tpu.barrier barrier_id(%barrier3A)
    %eq3A = arith.constant 0 : i32
    "tpu.trace_stop"() : () -> ()
    "tpu.trace_start"() <{level = 10 : i32, message = "agg_main"}> : () -> ()
    %eq3A_296 = arith.cmpi eq, %arg0, %eq3A : i32
    %jit3A = arith.constant 14 : i32
    %jit3A_297 = arith.constant 6 : i32
    %select_n3A = arith.select %eq3A_296, %jit3A, %jit3A_297 : i32
    %while3A = arith.constant 0 : i32
    %while3A_298 = arith.constant 0 : i32
    %while3A_299 = arith.subi %select_n3A, %while3A_298 : i32
    %while3A_300 = arith.addi %while3A_298, %while3A_299 : i32
    %while3A_301 = arith.constant 1 : i32
    %while3A_302 = arith.divsi %while3A_299, %while3A_301 : i32
    %while3A_303 = arith.muli %while3A_302, %while3A_301 : i32
    %while3A_304 = arith.addi %while3A_298, %while3A_303 : i32
    %while3A_305 = arith.constant 1 : i32
    scf.for %while3A_314 = %while3A_298 to %while3A_304 step %while3A_305  : i32 {
      "tpu.trace_start"() <{level = 10 : i32, message = "agg_gather"}> : () -> ()
      %dma_start3A = arith.constant 0 : i32
      %dma_start3A_315 = tpu.memref_slice %arg6[%while3A_314, %dma_start3A] : memref<14x1024xi32, #tpu.memory_space<vmem>> -> memref<1x1024xi32, #tpu.memory_space<vmem>>
      %dma_start3A_316 = tpu.memref_squeeze %dma_start3A_315 : memref<1x1024xi32, #tpu.memory_space<vmem>> -> memref<1024xi32, #tpu.memory_space<vmem>>
      %dma_start3A_317 = arith.constant 0 : i32
      %dma_start3A_318 = arith.constant 0 : i32
      %dma_start3A_319 = tpu.memref_slice %arg2[%dma_start3A_317, %dma_start3A_318] : memref<10000x96xbf16, #tpu.memory_space<hbm>> -> memref<10000x96xbf16, #tpu.memory_space<hbm>>
      tpu.enqueue_indirect_dma source(%dma_start3A_319 : memref<10000x96xbf16, #tpu.memory_space<hbm>>) target(%arg8 : memref<1024x96xbf16, #tpu.memory_space<vmem>>) offsets(%dma_start3A_316 : memref<1024xi32, #tpu.memory_space<vmem>>) semaphore(%arg12 : memref<!tpu.dma_semaphore, #tpu.memory_space<semaphore_mem>>)
      %dma_wait3A = arith.constant 0 : i32
      %dma_wait3A_320 = tpu.memref_slice %arg6[%while3A_314, %dma_wait3A] : memref<14x1024xi32, #tpu.memory_space<vmem>> -> memref<1x1024xi32, #tpu.memory_space<vmem>>
      %dma_wait3A_321 = tpu.memref_squeeze %dma_wait3A_320 : memref<1x1024xi32, #tpu.memory_space<vmem>> -> memref<1024xi32, #tpu.memory_space<vmem>>
      %dma_wait3A_322 = arith.constant 0 : i32
      %dma_wait3A_323 = arith.constant 0 : i32
      %dma_wait3A_324 = tpu.memref_slice %arg2[%dma_wait3A_322, %dma_wait3A_323] : memref<10000x96xbf16, #tpu.memory_space<hbm>> -> memref<10000x96xbf16, #tpu.memory_space<hbm>>
      tpu.wait_indirect_dma semaphore(%arg12 : memref<!tpu.dma_semaphore, #tpu.memory_space<semaphore_mem>>) src(%dma_wait3A_324 : memref<10000x96xbf16, #tpu.memory_space<hbm>>) dst(%arg8 : memref<1024x96xbf16, #tpu.memory_space<vmem>>)
      "tpu.trace_stop"() : () -> ()
      "tpu.trace_start"() <{level = 10 : i32, message = "agg_scatter"}> : () -> ()
      "tpu.region"() ({
        %run_scoped3A = tpu.sem_alloc : memref<!tpu.dma_semaphore, #tpu.memory_space<semaphore_mem>>
        %dma_start3A_325 = arith.constant 0 : i32
        %dma_start3A_326 = tpu.memref_slice %arg7[%while3A_314, %dma_start3A_325] : memref<14x1024xi32, #tpu.memory_space<vmem>> -> memref<1x1024xi32, #tpu.memory_space<vmem>>
        %dma_start3A_327 = tpu.memref_squeeze %dma_start3A_326 : memref<1x1024xi32, #tpu.memory_space<vmem>> -> memref<1024xi32, #tpu.memory_space<vmem>>
        %dma_start3A_328 = arith.constant 0 : i32
        %dma_start3A_329 = arith.constant 0 : i32
        %dma_start3A_330 = tpu.memref_slice %arg11[%dma_start3A_328, %dma_start3A_329] : memref<10240x96xbf16, #tpu.memory_space<vmem_shared>> -> memref<10240x96xbf16, #tpu.memory_space<vmem_shared>>
        tpu.enqueue_indirect_dma source(%arg8 : memref<1024x96xbf16, #tpu.memory_space<vmem>>) target(%dma_start3A_330 : memref<10240x96xbf16, #tpu.memory_space<vmem_shared>>) offsets(%dma_start3A_327 : memref<1024xi32, #tpu.memory_space<vmem>>) semaphore(%run_scoped3A : memref<!tpu.dma_semaphore, #tpu.memory_space<semaphore_mem>>) {add = true}
        %dma_wait3A_331 = arith.constant 0 : i32
        %dma_wait3A_332 = tpu.memref_slice %arg7[%while3A_314, %dma_wait3A_331] : memref<14x1024xi32, #tpu.memory_space<vmem>> -> memref<1x1024xi32, #tpu.memory_space<vmem>>
        %dma_wait3A_333 = tpu.memref_squeeze %dma_wait3A_332 : memref<1x1024xi32, #tpu.memory_space<vmem>> -> memref<1024xi32, #tpu.memory_space<vmem>>
        %dma_wait3A_334 = arith.constant 0 : i32
        %dma_wait3A_335 = arith.constant 0 : i32
        %dma_wait3A_336 = tpu.memref_slice %arg11[%dma_wait3A_334, %dma_wait3A_335] : memref<10240x96xbf16, #tpu.memory_space<vmem_shared>> -> memref<10240x96xbf16, #tpu.memory_space<vmem_shared>>
        tpu.wait_indirect_dma semaphore(%run_scoped3A : memref<!tpu.dma_semaphore, #tpu.memory_space<semaphore_mem>>) src(%arg8 : memref<1024x96xbf16, #tpu.memory_space<vmem>>) dst(%dma_wait3A_336 : memref<10240x96xbf16, #tpu.memory_space<vmem_shared>>)
        tpu.yield
      }) : () -> ()
      "tpu.trace_stop"() : () -> ()
    }
    %while3A_306 = arith.constant 1 : i32
    scf.for %while3A_314 = %while3A_304 to %while3A_300 step %while3A_306  : i32 {
      "tpu.trace_start"() <{level = 10 : i32, message = "agg_gather"}> : () -> ()
      %dma_start3A = arith.constant 0 : i32
      %dma_start3A_315 = tpu.memref_slice %arg6[%while3A_314, %dma_start3A] : memref<14x1024xi32, #tpu.memory_space<vmem>> -> memref<1x1024xi32, #tpu.memory_space<vmem>>
      %dma_start3A_316 = tpu.memref_squeeze %dma_start3A_315 : memref<1x1024xi32, #tpu.memory_space<vmem>> -> memref<1024xi32, #tpu.memory_space<vmem>>
      %dma_start3A_317 = arith.constant 0 : i32
      %dma_start3A_318 = arith.constant 0 : i32
      %dma_start3A_319 = tpu.memref_slice %arg2[%dma_start3A_317, %dma_start3A_318] : memref<10000x96xbf16, #tpu.memory_space<hbm>> -> memref<10000x96xbf16, #tpu.memory_space<hbm>>
      tpu.enqueue_indirect_dma source(%dma_start3A_319 : memref<10000x96xbf16, #tpu.memory_space<hbm>>) target(%arg8 : memref<1024x96xbf16, #tpu.memory_space<vmem>>) offsets(%dma_start3A_316 : memref<1024xi32, #tpu.memory_space<vmem>>) semaphore(%arg12 : memref<!tpu.dma_semaphore, #tpu.memory_space<semaphore_mem>>)
      %dma_wait3A = arith.constant 0 : i32
      %dma_wait3A_320 = tpu.memref_slice %arg6[%while3A_314, %dma_wait3A] : memref<14x1024xi32, #tpu.memory_space<vmem>> -> memref<1x1024xi32, #tpu.memory_space<vmem>>
      %dma_wait3A_321 = tpu.memref_squeeze %dma_wait3A_320 : memref<1x1024xi32, #tpu.memory_space<vmem>> -> memref<1024xi32, #tpu.memory_space<vmem>>
      %dma_wait3A_322 = arith.constant 0 : i32
      %dma_wait3A_323 = arith.constant 0 : i32
      %dma_wait3A_324 = tpu.memref_slice %arg2[%dma_wait3A_322, %dma_wait3A_323] : memref<10000x96xbf16, #tpu.memory_space<hbm>> -> memref<10000x96xbf16, #tpu.memory_space<hbm>>
      tpu.wait_indirect_dma semaphore(%arg12 : memref<!tpu.dma_semaphore, #tpu.memory_space<semaphore_mem>>) src(%dma_wait3A_324 : memref<10000x96xbf16, #tpu.memory_space<hbm>>) dst(%arg8 : memref<1024x96xbf16, #tpu.memory_space<vmem>>)
      "tpu.trace_stop"() : () -> ()
      "tpu.trace_start"() <{level = 10 : i32, message = "agg_scatter"}> : () -> ()
      "tpu.region"() ({
        %run_scoped3A = tpu.sem_alloc : memref<!tpu.dma_semaphore, #tpu.memory_space<semaphore_mem>>
        %dma_start3A_325 = arith.constant 0 : i32
        %dma_start3A_326 = tpu.memref_slice %arg7[%while3A_314, %dma_start3A_325] : memref<14x1024xi32, #tpu.memory_space<vmem>> -> memref<1x1024xi32, #tpu.memory_space<vmem>>
        %dma_start3A_327 = tpu.memref_squeeze %dma_start3A_326 : memref<1x1024xi32, #tpu.memory_space<vmem>> -> memref<1024xi32, #tpu.memory_space<vmem>>
        %dma_start3A_328 = arith.constant 0 : i32
        %dma_start3A_329 = arith.constant 0 : i32
        %dma_start3A_330 = tpu.memref_slice %arg11[%dma_start3A_328, %dma_start3A_329] : memref<10240x96xbf16, #tpu.memory_space<vmem_shared>> -> memref<10240x96xbf16, #tpu.memory_space<vmem_shared>>
        tpu.enqueue_indirect_dma source(%arg8 : memref<1024x96xbf16, #tpu.memory_space<vmem>>) target(%dma_start3A_330 : memref<10240x96xbf16, #tpu.memory_space<vmem_shared>>) offsets(%dma_start3A_327 : memref<1024xi32, #tpu.memory_space<vmem>>) semaphore(%run_scoped3A : memref<!tpu.dma_semaphore, #tpu.memory_space<semaphore_mem>>) {add = true}
        %dma_wait3A_331 = arith.constant 0 : i32
        %dma_wait3A_332 = tpu.memref_slice %arg7[%while3A_314, %dma_wait3A_331] : memref<14x1024xi32, #tpu.memory_space<vmem>> -> memref<1x1024xi32, #tpu.memory_space<vmem>>
        %dma_wait3A_333 = tpu.memref_squeeze %dma_wait3A_332 : memref<1x1024xi32, #tpu.memory_space<vmem>> -> memref<1024xi32, #tpu.memory_space<vmem>>
        %dma_wait3A_334 = arith.constant 0 : i32
        %dma_wait3A_335 = arith.constant 0 : i32
        %dma_wait3A_336 = tpu.memref_slice %arg11[%dma_wait3A_334, %dma_wait3A_335] : memref<10240x96xbf16, #tpu.memory_space<vmem_shared>> -> memref<10240x96xbf16, #tpu.memory_space<vmem_shared>>
        tpu.wait_indirect_dma semaphore(%run_scoped3A : memref<!tpu.dma_semaphore, #tpu.memory_space<semaphore_mem>>) src(%arg8 : memref<1024x96xbf16, #tpu.memory_space<vmem>>) dst(%dma_wait3A_336 : memref<10240x96xbf16, #tpu.memory_space<vmem_shared>>)
        tpu.yield
      }) : () -> ()
      "tpu.trace_stop"() : () -> ()
    }
    "tpu.trace_stop"() : () -> ()
    "tpu.trace_start"() <{level = 10 : i32, message = "agg_bar"}> : () -> ()
    %barrier3A_307 = arith.constant 0 : index
    tpu.barrier barrier_id(%barrier3A_307)
    "tpu.trace_stop"() : () -> ()
    "tpu.trace_start"() <{level = 10 : i32, message = "agg_out"}> : () -> ()
    %scan3A_308 = arith.constant 0 : i32
    %scan3A_309 = arith.constant 0 : i32
    %scan3A_310 = arith.constant 5 : i32
    %scan3A_311 = arith.addi %scan3A_309, %scan3A_310 : i32
    %scan3A_312 = arith.constant 1 : i32
    scf.for %scan3A_314 = %scan3A_309 to %scan3A_311 step %scan3A_312  : i32 {
      %mul3A_315 = arith.constant 128 : i32
      %mul3A_316 = arith.muli %scan3A_314, %mul3A_315 : i32
      %add3A_317 = arith.addi %mul3A_290, %mul3A_316 : i32
      "tpu.region"() ({
        %run_scoped3A = tpu.sem_alloc : memref<!tpu.dma_semaphore, #tpu.memory_space<semaphore_mem>>
        %dma_start3A = arith.constant 0 : i32
        %dma_start3A_318 = tpu.memref_slice %arg11[%add3A_317, %dma_start3A] : memref<10240x96xbf16, #tpu.memory_space<vmem_shared>> -> memref<128x96xbf16, #tpu.memory_space<vmem_shared>>
        %dma_start3A_319 = arith.constant 0 : i32
        %dma_start3A_320 = tpu.memref_slice %arg11[%add3A_317, %dma_start3A_319] : memref<10240x96xbf16, #tpu.memory_space<vmem_shared>> -> memref<128x96xbf16, #tpu.memory_space<vmem_shared>>
        tpu.enqueue_dma source(%dma_start3A_320 : memref<128x96xbf16, #tpu.memory_space<vmem_shared>>) target(%arg9 : memref<128x96xbf16, #tpu.memory_space<vmem>>) target_semaphore(%run_scoped3A : memref<!tpu.dma_semaphore, #tpu.memory_space<semaphore_mem>>)
        %dma_wait3A = arith.constant 0 : i32
        %dma_wait3A_321 = tpu.memref_slice %arg11[%add3A_317, %dma_wait3A] : memref<10240x96xbf16, #tpu.memory_space<vmem_shared>> -> memref<128x96xbf16, #tpu.memory_space<vmem_shared>>
        %dma_wait3A_322 = arith.constant 0 : i32
        %dma_wait3A_323 = tpu.memref_slice %arg11[%add3A_317, %dma_wait3A_322] : memref<10240x96xbf16, #tpu.memory_space<vmem_shared>> -> memref<128x96xbf16, #tpu.memory_space<vmem_shared>>
        tpu.wait_dma2 semaphore(%run_scoped3A : memref<!tpu.dma_semaphore, #tpu.memory_space<semaphore_mem>>) src(%dma_wait3A_323 : memref<128x96xbf16, #tpu.memory_space<vmem_shared>>) dst(%arg9 : memref<128x96xbf16, #tpu.memory_space<vmem>>)
        tpu.yield
      }) : () -> ()
      "tpu.region"() ({
        %run_scoped3A = tpu.sem_alloc : memref<!tpu.dma_semaphore, #tpu.memory_space<semaphore_mem>>
        %dma_start3A = arith.constant 0 : i32
        %dma_start3A_318 = tpu.memref_slice %arg5[%arg0, %add3A_317, %dma_start3A] : memref<2x10240x96xbf16, #tpu.memory_space<hbm>> -> memref<1x128x96xbf16, #tpu.memory_space<hbm>>
        %dma_start3A_319 = tpu.memref_squeeze %dma_start3A_318 : memref<1x128x96xbf16, #tpu.memory_space<hbm>> -> memref<128x96xbf16, #tpu.memory_space<hbm>>
        %dma_start3A_320 = arith.constant 0 : i32
        %dma_start3A_321 = tpu.memref_slice %arg5[%arg0, %add3A_317, %dma_start3A_320] : memref<2x10240x96xbf16, #tpu.memory_space<hbm>> -> memref<1x128x96xbf16, #tpu.memory_space<hbm>>
        %dma_start3A_322 = tpu.memref_squeeze %dma_start3A_321 : memref<1x128x96xbf16, #tpu.memory_space<hbm>> -> memref<128x96xbf16, #tpu.memory_space<hbm>>
        tpu.enqueue_dma source(%arg9 : memref<128x96xbf16, #tpu.memory_space<vmem>>) target(%dma_start3A_322 : memref<128x96xbf16, #tpu.memory_space<hbm>>) target_semaphore(%run_scoped3A : memref<!tpu.dma_semaphore, #tpu.memory_space<semaphore_mem>>)
        %dma_wait3A = arith.constant 0 : i32
        %dma_wait3A_323 = tpu.memref_slice %arg5[%arg0, %add3A_317, %dma_wait3A] : memref<2x10240x96xbf16, #tpu.memory_space<hbm>> -> memref<1x128x96xbf16, #tpu.memory_space<hbm>>
        %dma_wait3A_324 = tpu.memref_squeeze %dma_wait3A_323 : memref<1x128x96xbf16, #tpu.memory_space<hbm>> -> memref<128x96xbf16, #tpu.memory_space<hbm>>
        %dma_wait3A_325 = arith.constant 0 : i32
        %dma_wait3A_326 = tpu.memref_slice %arg5[%arg0, %add3A_317, %dma_wait3A_325] : memref<2x10240x96xbf16, #tpu.memory_space<hbm>> -> memref<1x128x96xbf16, #tpu.memory_space<hbm>>
        %dma_wait3A_327 = tpu.memref_squeeze %dma_wait3A_326 : memref<1x128x96xbf16, #tpu.memory_space<hbm>> -> memref<128x96xbf16, #tpu.memory_space<hbm>>
        tpu.wait_dma2 semaphore(%run_scoped3A : memref<!tpu.dma_semaphore, #tpu.memory_space<semaphore_mem>>) src(%arg9 : memref<128x96xbf16, #tpu.memory_space<vmem>>) dst(%dma_wait3A_327 : memref<128x96xbf16, #tpu.memory_space<hbm>>)
        tpu.yield
      }) : () -> ()
    }
    %scan3A_313 = arith.constant 5 : i32
    "tpu.trace_stop"() : () -> ()
    return
  }
}

#map = affine_map<(d0, d1) -> (0, 0)>
#map1 = affine_map<(d0, d1) -> (0, 0, 0)>
module attributes {stable_mosaic.version = 14 : i64} {
  func.func @body(%arg0: i32, %arg1: i32, %arg2: memref<10000x64xbf16, #tpu.memory_space<hbm>>, %arg3: memref<32x14x1024xi32, #tpu.memory_space<hbm>>, %arg4: memref<32x14x1024xi32, #tpu.memory_space<hbm>>, %arg5: memref<2x10240x64xbf16, #tpu.memory_space<hbm>>, %arg6: memref<14x1024xi32, #tpu.memory_space<vmem>>, %arg7: memref<14x1024xi32, #tpu.memory_space<vmem>>, %arg8: memref<1024x64xbf16, #tpu.memory_space<vmem>>, %arg9: memref<128x64xbf16, #tpu.memory_space<vmem>>, %arg10: memref<16x64xbf16, #tpu.memory_space<vmem>>, %arg11: memref<10240x64xbf16, #tpu.memory_space<vmem_shared>>, %arg12: memref<!tpu.dma_semaphore, #tpu.memory_space<semaphore_mem>>) attributes {dimension_semantics = [#tpu.dimension_semantics<core_parallel>, #tpu.dimension_semantics<subcore_parallel>], iteration_bounds = array<i64: 2, 16>, scalar_prefetch = 0 : i64, scratch_operands = 7 : i64, tpu.core_type = #tpu.core_type<sc_vector_subcore>, window_params = [{transform_indices = #map}, {transform_indices = #map1}, {transform_indices = #map1}, {transform_indices = #map1}]} {
    %mul3A = arith.constant 16 : i32
    %mul3A_0 = arith.muli %arg0, %mul3A : i32
    %add3A = arith.addi %mul3A_0, %arg1 : i32
    "tpu.region"() ({
      %run_scoped3A = tpu.sem_alloc : memref<!tpu.dma_semaphore, #tpu.memory_space<semaphore_mem>>
      %dma_start3A = arith.constant 0 : i32
      %dma_start3A_218 = arith.constant 0 : i32
      %dma_start3A_219 = tpu.memref_slice %arg3[%add3A, %dma_start3A, %dma_start3A_218] : memref<32x14x1024xi32, #tpu.memory_space<hbm>> -> memref<1x14x1024xi32, #tpu.memory_space<hbm>>
      %dma_start3A_220 = tpu.memref_squeeze %dma_start3A_219 : memref<1x14x1024xi32, #tpu.memory_space<hbm>> -> memref<14x1024xi32, #tpu.memory_space<hbm>>
      %dma_start3A_221 = arith.constant 0 : i32
      %dma_start3A_222 = arith.constant 0 : i32
      %dma_start3A_223 = tpu.memref_slice %arg3[%add3A, %dma_start3A_221, %dma_start3A_222] : memref<32x14x1024xi32, #tpu.memory_space<hbm>> -> memref<1x14x1024xi32, #tpu.memory_space<hbm>>
      %dma_start3A_224 = tpu.memref_squeeze %dma_start3A_223 : memref<1x14x1024xi32, #tpu.memory_space<hbm>> -> memref<14x1024xi32, #tpu.memory_space<hbm>>
      tpu.enqueue_dma source(%dma_start3A_224 : memref<14x1024xi32, #tpu.memory_space<hbm>>) target(%arg6 : memref<14x1024xi32, #tpu.memory_space<vmem>>) target_semaphore(%run_scoped3A : memref<!tpu.dma_semaphore, #tpu.memory_space<semaphore_mem>>)
      %dma_wait3A = arith.constant 0 : i32
      %dma_wait3A_225 = arith.constant 0 : i32
      %dma_wait3A_226 = tpu.memref_slice %arg3[%add3A, %dma_wait3A, %dma_wait3A_225] : memref<32x14x1024xi32, #tpu.memory_space<hbm>> -> memref<1x14x1024xi32, #tpu.memory_space<hbm>>
      %dma_wait3A_227 = tpu.memref_squeeze %dma_wait3A_226 : memref<1x14x1024xi32, #tpu.memory_space<hbm>> -> memref<14x1024xi32, #tpu.memory_space<hbm>>
      %dma_wait3A_228 = arith.constant 0 : i32
      %dma_wait3A_229 = arith.constant 0 : i32
      %dma_wait3A_230 = tpu.memref_slice %arg3[%add3A, %dma_wait3A_228, %dma_wait3A_229] : memref<32x14x1024xi32, #tpu.memory_space<hbm>> -> memref<1x14x1024xi32, #tpu.memory_space<hbm>>
      %dma_wait3A_231 = tpu.memref_squeeze %dma_wait3A_230 : memref<1x14x1024xi32, #tpu.memory_space<hbm>> -> memref<14x1024xi32, #tpu.memory_space<hbm>>
      tpu.wait_dma2 semaphore(%run_scoped3A : memref<!tpu.dma_semaphore, #tpu.memory_space<semaphore_mem>>) src(%dma_wait3A_231 : memref<14x1024xi32, #tpu.memory_space<hbm>>) dst(%arg6 : memref<14x1024xi32, #tpu.memory_space<vmem>>)
      tpu.yield
    }) : () -> ()
    "tpu.region"() ({
      %run_scoped3A = tpu.sem_alloc : memref<!tpu.dma_semaphore, #tpu.memory_space<semaphore_mem>>
      %dma_start3A = arith.constant 0 : i32
      %dma_start3A_218 = arith.constant 0 : i32
      %dma_start3A_219 = tpu.memref_slice %arg4[%add3A, %dma_start3A, %dma_start3A_218] : memref<32x14x1024xi32, #tpu.memory_space<hbm>> -> memref<1x14x1024xi32, #tpu.memory_space<hbm>>
      %dma_start3A_220 = tpu.memref_squeeze %dma_start3A_219 : memref<1x14x1024xi32, #tpu.memory_space<hbm>> -> memref<14x1024xi32, #tpu.memory_space<hbm>>
      %dma_start3A_221 = arith.constant 0 : i32
      %dma_start3A_222 = arith.constant 0 : i32
      %dma_start3A_223 = tpu.memref_slice %arg4[%add3A, %dma_start3A_221, %dma_start3A_222] : memref<32x14x1024xi32, #tpu.memory_space<hbm>> -> memref<1x14x1024xi32, #tpu.memory_space<hbm>>
      %dma_start3A_224 = tpu.memref_squeeze %dma_start3A_223 : memref<1x14x1024xi32, #tpu.memory_space<hbm>> -> memref<14x1024xi32, #tpu.memory_space<hbm>>
      tpu.enqueue_dma source(%dma_start3A_224 : memref<14x1024xi32, #tpu.memory_space<hbm>>) target(%arg7 : memref<14x1024xi32, #tpu.memory_space<vmem>>) target_semaphore(%run_scoped3A : memref<!tpu.dma_semaphore, #tpu.memory_space<semaphore_mem>>)
      %dma_wait3A = arith.constant 0 : i32
      %dma_wait3A_225 = arith.constant 0 : i32
      %dma_wait3A_226 = tpu.memref_slice %arg4[%add3A, %dma_wait3A, %dma_wait3A_225] : memref<32x14x1024xi32, #tpu.memory_space<hbm>> -> memref<1x14x1024xi32, #tpu.memory_space<hbm>>
      %dma_wait3A_227 = tpu.memref_squeeze %dma_wait3A_226 : memref<1x14x1024xi32, #tpu.memory_space<hbm>> -> memref<14x1024xi32, #tpu.memory_space<hbm>>
      %dma_wait3A_228 = arith.constant 0 : i32
      %dma_wait3A_229 = arith.constant 0 : i32
      %dma_wait3A_230 = tpu.memref_slice %arg4[%add3A, %dma_wait3A_228, %dma_wait3A_229] : memref<32x14x1024xi32, #tpu.memory_space<hbm>> -> memref<1x14x1024xi32, #tpu.memory_space<hbm>>
      %dma_wait3A_231 = tpu.memref_squeeze %dma_wait3A_230 : memref<1x14x1024xi32, #tpu.memory_space<hbm>> -> memref<14x1024xi32, #tpu.memory_space<hbm>>
      tpu.wait_dma2 semaphore(%run_scoped3A : memref<!tpu.dma_semaphore, #tpu.memory_space<semaphore_mem>>) src(%dma_wait3A_231 : memref<14x1024xi32, #tpu.memory_space<hbm>>) dst(%arg7 : memref<14x1024xi32, #tpu.memory_space<vmem>>)
      tpu.yield
    }) : () -> ()
    %broadcast_in_dim3A = arith.constant 0.000000e+00 : bf16
    %broadcast_in_dim3A_1 = vector.broadcast %broadcast_in_dim3A : bf16 to vector<32xbf16>
    %swap3A = arith.constant 0 : i32
    %swap3A_2 = arith.index_cast %swap3A : i32 to index
    %swap3A_3 = arith.constant 0 : index
    %swap3A_4 = tpu.vector_load %arg10[%swap3A_2, %swap3A_3] {strides = array<i32>} : memref<16x64xbf16, #tpu.memory_space<vmem>>, vector<1x32xbf16>,
    %swap3A_5 = vector.shape_cast %swap3A_4 : vector<1x32xbf16> to vector<32xbf16>
    %swap3A_6 = vector.shape_cast %broadcast_in_dim3A_1 : vector<32xbf16> to vector<1x32xbf16>
    tpu.vector_store %arg10[%swap3A_2, %swap3A_3], %swap3A_6 {strides = array<i32>} : memref<16x64xbf16, #tpu.memory_space<vmem>>, vector<1x32xbf16>,
    %swap3A_7 = arith.constant 0 : i32
    %swap3A_8 = arith.index_cast %swap3A_7 : i32 to index
    %swap3A_9 = arith.constant 32 : index
    %swap3A_10 = tpu.vector_load %arg10[%swap3A_8, %swap3A_9] {strides = array<i32>} : memref<16x64xbf16, #tpu.memory_space<vmem>>, vector<1x32xbf16>,
    %swap3A_11 = vector.shape_cast %swap3A_10 : vector<1x32xbf16> to vector<32xbf16>
    %swap3A_12 = vector.shape_cast %broadcast_in_dim3A_1 : vector<32xbf16> to vector<1x32xbf16>
    tpu.vector_store %arg10[%swap3A_8, %swap3A_9], %swap3A_12 {strides = array<i32>} : memref<16x64xbf16, #tpu.memory_space<vmem>>, vector<1x32xbf16>,
    %swap3A_13 = arith.constant 1 : i32
    %swap3A_14 = arith.index_cast %swap3A_13 : i32 to index
    %swap3A_15 = arith.constant 0 : index
    %swap3A_16 = tpu.vector_load %arg10[%swap3A_14, %swap3A_15] {strides = array<i32>} : memref<16x64xbf16, #tpu.memory_space<vmem>>, vector<1x32xbf16>,
    %swap3A_17 = vector.shape_cast %swap3A_16 : vector<1x32xbf16> to vector<32xbf16>
    %swap3A_18 = vector.shape_cast %broadcast_in_dim3A_1 : vector<32xbf16> to vector<1x32xbf16>
    tpu.vector_store %arg10[%swap3A_14, %swap3A_15], %swap3A_18 {strides = array<i32>} : memref<16x64xbf16, #tpu.memory_space<vmem>>, vector<1x32xbf16>,
    %swap3A_19 = arith.constant 1 : i32
    %swap3A_20 = arith.index_cast %swap3A_19 : i32 to index
    %swap3A_21 = arith.constant 32 : index
    %swap3A_22 = tpu.vector_load %arg10[%swap3A_20, %swap3A_21] {strides = array<i32>} : memref<16x64xbf16, #tpu.memory_space<vmem>>, vector<1x32xbf16>,
    %swap3A_23 = vector.shape_cast %swap3A_22 : vector<1x32xbf16> to vector<32xbf16>
    %swap3A_24 = vector.shape_cast %broadcast_in_dim3A_1 : vector<32xbf16> to vector<1x32xbf16>
    tpu.vector_store %arg10[%swap3A_20, %swap3A_21], %swap3A_24 {strides = array<i32>} : memref<16x64xbf16, #tpu.memory_space<vmem>>, vector<1x32xbf16>,
    %swap3A_25 = arith.constant 2 : i32
    %swap3A_26 = arith.index_cast %swap3A_25 : i32 to index
    %swap3A_27 = arith.constant 0 : index
    %swap3A_28 = tpu.vector_load %arg10[%swap3A_26, %swap3A_27] {strides = array<i32>} : memref<16x64xbf16, #tpu.memory_space<vmem>>, vector<1x32xbf16>,
    %swap3A_29 = vector.shape_cast %swap3A_28 : vector<1x32xbf16> to vector<32xbf16>
    %swap3A_30 = vector.shape_cast %broadcast_in_dim3A_1 : vector<32xbf16> to vector<1x32xbf16>
    tpu.vector_store %arg10[%swap3A_26, %swap3A_27], %swap3A_30 {strides = array<i32>} : memref<16x64xbf16, #tpu.memory_space<vmem>>, vector<1x32xbf16>,
    %swap3A_31 = arith.constant 2 : i32
    %swap3A_32 = arith.index_cast %swap3A_31 : i32 to index
    %swap3A_33 = arith.constant 32 : index
    %swap3A_34 = tpu.vector_load %arg10[%swap3A_32, %swap3A_33] {strides = array<i32>} : memref<16x64xbf16, #tpu.memory_space<vmem>>, vector<1x32xbf16>,
    %swap3A_35 = vector.shape_cast %swap3A_34 : vector<1x32xbf16> to vector<32xbf16>
    %swap3A_36 = vector.shape_cast %broadcast_in_dim3A_1 : vector<32xbf16> to vector<1x32xbf16>
    tpu.vector_store %arg10[%swap3A_32, %swap3A_33], %swap3A_36 {strides = array<i32>} : memref<16x64xbf16, #tpu.memory_space<vmem>>, vector<1x32xbf16>,
    %swap3A_37 = arith.constant 3 : i32
    %swap3A_38 = arith.index_cast %swap3A_37 : i32 to index
    %swap3A_39 = arith.constant 0 : index
    %swap3A_40 = tpu.vector_load %arg10[%swap3A_38, %swap3A_39] {strides = array<i32>} : memref<16x64xbf16, #tpu.memory_space<vmem>>, vector<1x32xbf16>,
    %swap3A_41 = vector.shape_cast %swap3A_40 : vector<1x32xbf16> to vector<32xbf16>
    %swap3A_42 = vector.shape_cast %broadcast_in_dim3A_1 : vector<32xbf16> to vector<1x32xbf16>
    tpu.vector_store %arg10[%swap3A_38, %swap3A_39], %swap3A_42 {strides = array<i32>} : memref<16x64xbf16, #tpu.memory_space<vmem>>, vector<1x32xbf16>,
    %swap3A_43 = arith.constant 3 : i32
    %swap3A_44 = arith.index_cast %swap3A_43 : i32 to index
    %swap3A_45 = arith.constant 32 : index
    %swap3A_46 = tpu.vector_load %arg10[%swap3A_44, %swap3A_45] {strides = array<i32>} : memref<16x64xbf16, #tpu.memory_space<vmem>>, vector<1x32xbf16>,
    %swap3A_47 = vector.shape_cast %swap3A_46 : vector<1x32xbf16> to vector<32xbf16>
    %swap3A_48 = vector.shape_cast %broadcast_in_dim3A_1 : vector<32xbf16> to vector<1x32xbf16>
    tpu.vector_store %arg10[%swap3A_44, %swap3A_45], %swap3A_48 {strides = array<i32>} : memref<16x64xbf16, #tpu.memory_space<vmem>>, vector<1x32xbf16>,
    %swap3A_49 = arith.constant 4 : i32
    %swap3A_50 = arith.index_cast %swap3A_49 : i32 to index
    %swap3A_51 = arith.constant 0 : index
    %swap3A_52 = tpu.vector_load %arg10[%swap3A_50, %swap3A_51] {strides = array<i32>} : memref<16x64xbf16, #tpu.memory_space<vmem>>, vector<1x32xbf16>,
    %swap3A_53 = vector.shape_cast %swap3A_52 : vector<1x32xbf16> to vector<32xbf16>
    %swap3A_54 = vector.shape_cast %broadcast_in_dim3A_1 : vector<32xbf16> to vector<1x32xbf16>
    tpu.vector_store %arg10[%swap3A_50, %swap3A_51], %swap3A_54 {strides = array<i32>} : memref<16x64xbf16, #tpu.memory_space<vmem>>, vector<1x32xbf16>,
    %swap3A_55 = arith.constant 4 : i32
    %swap3A_56 = arith.index_cast %swap3A_55 : i32 to index
    %swap3A_57 = arith.constant 32 : index
    %swap3A_58 = tpu.vector_load %arg10[%swap3A_56, %swap3A_57] {strides = array<i32>} : memref<16x64xbf16, #tpu.memory_space<vmem>>, vector<1x32xbf16>,
    %swap3A_59 = vector.shape_cast %swap3A_58 : vector<1x32xbf16> to vector<32xbf16>
    %swap3A_60 = vector.shape_cast %broadcast_in_dim3A_1 : vector<32xbf16> to vector<1x32xbf16>
    tpu.vector_store %arg10[%swap3A_56, %swap3A_57], %swap3A_60 {strides = array<i32>} : memref<16x64xbf16, #tpu.memory_space<vmem>>, vector<1x32xbf16>,
    %swap3A_61 = arith.constant 5 : i32
    %swap3A_62 = arith.index_cast %swap3A_61 : i32 to index
    %swap3A_63 = arith.constant 0 : index
    %swap3A_64 = tpu.vector_load %arg10[%swap3A_62, %swap3A_63] {strides = array<i32>} : memref<16x64xbf16, #tpu.memory_space<vmem>>, vector<1x32xbf16>,
    %swap3A_65 = vector.shape_cast %swap3A_64 : vector<1x32xbf16> to vector<32xbf16>
    %swap3A_66 = vector.shape_cast %broadcast_in_dim3A_1 : vector<32xbf16> to vector<1x32xbf16>
    tpu.vector_store %arg10[%swap3A_62, %swap3A_63], %swap3A_66 {strides = array<i32>} : memref<16x64xbf16, #tpu.memory_space<vmem>>, vector<1x32xbf16>,
    %swap3A_67 = arith.constant 5 : i32
    %swap3A_68 = arith.index_cast %swap3A_67 : i32 to index
    %swap3A_69 = arith.constant 32 : index
    %swap3A_70 = tpu.vector_load %arg10[%swap3A_68, %swap3A_69] {strides = array<i32>} : memref<16x64xbf16, #tpu.memory_space<vmem>>, vector<1x32xbf16>,
    %swap3A_71 = vector.shape_cast %swap3A_70 : vector<1x32xbf16> to vector<32xbf16>
    %swap3A_72 = vector.shape_cast %broadcast_in_dim3A_1 : vector<32xbf16> to vector<1x32xbf16>
    tpu.vector_store %arg10[%swap3A_68, %swap3A_69], %swap3A_72 {strides = array<i32>} : memref<16x64xbf16, #tpu.memory_space<vmem>>, vector<1x32xbf16>,
    %swap3A_73 = arith.constant 6 : i32
    %swap3A_74 = arith.index_cast %swap3A_73 : i32 to index
    %swap3A_75 = arith.constant 0 : index
    %swap3A_76 = tpu.vector_load %arg10[%swap3A_74, %swap3A_75] {strides = array<i32>} : memref<16x64xbf16, #tpu.memory_space<vmem>>, vector<1x32xbf16>,
    %swap3A_77 = vector.shape_cast %swap3A_76 : vector<1x32xbf16> to vector<32xbf16>
    %swap3A_78 = vector.shape_cast %broadcast_in_dim3A_1 : vector<32xbf16> to vector<1x32xbf16>
    tpu.vector_store %arg10[%swap3A_74, %swap3A_75], %swap3A_78 {strides = array<i32>} : memref<16x64xbf16, #tpu.memory_space<vmem>>, vector<1x32xbf16>,
    %swap3A_79 = arith.constant 6 : i32
    %swap3A_80 = arith.index_cast %swap3A_79 : i32 to index
    %swap3A_81 = arith.constant 32 : index
    %swap3A_82 = tpu.vector_load %arg10[%swap3A_80, %swap3A_81] {strides = array<i32>} : memref<16x64xbf16, #tpu.memory_space<vmem>>, vector<1x32xbf16>,
    %swap3A_83 = vector.shape_cast %swap3A_82 : vector<1x32xbf16> to vector<32xbf16>
    %swap3A_84 = vector.shape_cast %broadcast_in_dim3A_1 : vector<32xbf16> to vector<1x32xbf16>
    tpu.vector_store %arg10[%swap3A_80, %swap3A_81], %swap3A_84 {strides = array<i32>} : memref<16x64xbf16, #tpu.memory_space<vmem>>, vector<1x32xbf16>,
    %swap3A_85 = arith.constant 7 : i32
    %swap3A_86 = arith.index_cast %swap3A_85 : i32 to index
    %swap3A_87 = arith.constant 0 : index
    %swap3A_88 = tpu.vector_load %arg10[%swap3A_86, %swap3A_87] {strides = array<i32>} : memref<16x64xbf16, #tpu.memory_space<vmem>>, vector<1x32xbf16>,
    %swap3A_89 = vector.shape_cast %swap3A_88 : vector<1x32xbf16> to vector<32xbf16>
    %swap3A_90 = vector.shape_cast %broadcast_in_dim3A_1 : vector<32xbf16> to vector<1x32xbf16>
    tpu.vector_store %arg10[%swap3A_86, %swap3A_87], %swap3A_90 {strides = array<i32>} : memref<16x64xbf16, #tpu.memory_space<vmem>>, vector<1x32xbf16>,
    %swap3A_91 = arith.constant 7 : i32
    %swap3A_92 = arith.index_cast %swap3A_91 : i32 to index
    %swap3A_93 = arith.constant 32 : index
    %swap3A_94 = tpu.vector_load %arg10[%swap3A_92, %swap3A_93] {strides = array<i32>} : memref<16x64xbf16, #tpu.memory_space<vmem>>, vector<1x32xbf16>,
    %swap3A_95 = vector.shape_cast %swap3A_94 : vector<1x32xbf16> to vector<32xbf16>
    %swap3A_96 = vector.shape_cast %broadcast_in_dim3A_1 : vector<32xbf16> to vector<1x32xbf16>
    tpu.vector_store %arg10[%swap3A_92, %swap3A_93], %swap3A_96 {strides = array<i32>} : memref<16x64xbf16, #tpu.memory_space<vmem>>, vector<1x32xbf16>,
    %swap3A_97 = arith.constant 8 : i32
    %swap3A_98 = arith.index_cast %swap3A_97 : i32 to index
    %swap3A_99 = arith.constant 0 : index
    %swap3A_100 = tpu.vector_load %arg10[%swap3A_98, %swap3A_99] {strides = array<i32>} : memref<16x64xbf16, #tpu.memory_space<vmem>>, vector<1x32xbf16>,
    %swap3A_101 = vector.shape_cast %swap3A_100 : vector<1x32xbf16> to vector<32xbf16>
    %swap3A_102 = vector.shape_cast %broadcast_in_dim3A_1 : vector<32xbf16> to vector<1x32xbf16>
    tpu.vector_store %arg10[%swap3A_98, %swap3A_99], %swap3A_102 {strides = array<i32>} : memref<16x64xbf16, #tpu.memory_space<vmem>>, vector<1x32xbf16>,
    %swap3A_103 = arith.constant 8 : i32
    %swap3A_104 = arith.index_cast %swap3A_103 : i32 to index
    %swap3A_105 = arith.constant 32 : index
    %swap3A_106 = tpu.vector_load %arg10[%swap3A_104, %swap3A_105] {strides = array<i32>} : memref<16x64xbf16, #tpu.memory_space<vmem>>, vector<1x32xbf16>,
    %swap3A_107 = vector.shape_cast %swap3A_106 : vector<1x32xbf16> to vector<32xbf16>
    %swap3A_108 = vector.shape_cast %broadcast_in_dim3A_1 : vector<32xbf16> to vector<1x32xbf16>
    tpu.vector_store %arg10[%swap3A_104, %swap3A_105], %swap3A_108 {strides = array<i32>} : memref<16x64xbf16, #tpu.memory_space<vmem>>, vector<1x32xbf16>,
    %swap3A_109 = arith.constant 9 : i32
    %swap3A_110 = arith.index_cast %swap3A_109 : i32 to index
    %swap3A_111 = arith.constant 0 : index
    %swap3A_112 = tpu.vector_load %arg10[%swap3A_110, %swap3A_111] {strides = array<i32>} : memref<16x64xbf16, #tpu.memory_space<vmem>>, vector<1x32xbf16>,
    %swap3A_113 = vector.shape_cast %swap3A_112 : vector<1x32xbf16> to vector<32xbf16>
    %swap3A_114 = vector.shape_cast %broadcast_in_dim3A_1 : vector<32xbf16> to vector<1x32xbf16>
    tpu.vector_store %arg10[%swap3A_110, %swap3A_111], %swap3A_114 {strides = array<i32>} : memref<16x64xbf16, #tpu.memory_space<vmem>>, vector<1x32xbf16>,
    %swap3A_115 = arith.constant 9 : i32
    %swap3A_116 = arith.index_cast %swap3A_115 : i32 to index
    %swap3A_117 = arith.constant 32 : index
    %swap3A_118 = tpu.vector_load %arg10[%swap3A_116, %swap3A_117] {strides = array<i32>} : memref<16x64xbf16, #tpu.memory_space<vmem>>, vector<1x32xbf16>,
    %swap3A_119 = vector.shape_cast %swap3A_118 : vector<1x32xbf16> to vector<32xbf16>
    %swap3A_120 = vector.shape_cast %broadcast_in_dim3A_1 : vector<32xbf16> to vector<1x32xbf16>
    tpu.vector_store %arg10[%swap3A_116, %swap3A_117], %swap3A_120 {strides = array<i32>} : memref<16x64xbf16, #tpu.memory_space<vmem>>, vector<1x32xbf16>,
    %swap3A_121 = arith.constant 10 : i32
    %swap3A_122 = arith.index_cast %swap3A_121 : i32 to index
    %swap3A_123 = arith.constant 0 : index
    %swap3A_124 = tpu.vector_load %arg10[%swap3A_122, %swap3A_123] {strides = array<i32>} : memref<16x64xbf16, #tpu.memory_space<vmem>>, vector<1x32xbf16>,
    %swap3A_125 = vector.shape_cast %swap3A_124 : vector<1x32xbf16> to vector<32xbf16>
    %swap3A_126 = vector.shape_cast %broadcast_in_dim3A_1 : vector<32xbf16> to vector<1x32xbf16>
    tpu.vector_store %arg10[%swap3A_122, %swap3A_123], %swap3A_126 {strides = array<i32>} : memref<16x64xbf16, #tpu.memory_space<vmem>>, vector<1x32xbf16>,
    %swap3A_127 = arith.constant 10 : i32
    %swap3A_128 = arith.index_cast %swap3A_127 : i32 to index
    %swap3A_129 = arith.constant 32 : index
    %swap3A_130 = tpu.vector_load %arg10[%swap3A_128, %swap3A_129] {strides = array<i32>} : memref<16x64xbf16, #tpu.memory_space<vmem>>, vector<1x32xbf16>,
    %swap3A_131 = vector.shape_cast %swap3A_130 : vector<1x32xbf16> to vector<32xbf16>
    %swap3A_132 = vector.shape_cast %broadcast_in_dim3A_1 : vector<32xbf16> to vector<1x32xbf16>
    tpu.vector_store %arg10[%swap3A_128, %swap3A_129], %swap3A_132 {strides = array<i32>} : memref<16x64xbf16, #tpu.memory_space<vmem>>, vector<1x32xbf16>,
    %swap3A_133 = arith.constant 11 : i32
    %swap3A_134 = arith.index_cast %swap3A_133 : i32 to index
    %swap3A_135 = arith.constant 0 : index
    %swap3A_136 = tpu.vector_load %arg10[%swap3A_134, %swap3A_135] {strides = array<i32>} : memref<16x64xbf16, #tpu.memory_space<vmem>>, vector<1x32xbf16>,
    %swap3A_137 = vector.shape_cast %swap3A_136 : vector<1x32xbf16> to vector<32xbf16>
    %swap3A_138 = vector.shape_cast %broadcast_in_dim3A_1 : vector<32xbf16> to vector<1x32xbf16>
    tpu.vector_store %arg10[%swap3A_134, %swap3A_135], %swap3A_138 {strides = array<i32>} : memref<16x64xbf16, #tpu.memory_space<vmem>>, vector<1x32xbf16>,
    %swap3A_139 = arith.constant 11 : i32
    %swap3A_140 = arith.index_cast %swap3A_139 : i32 to index
    %swap3A_141 = arith.constant 32 : index
    %swap3A_142 = tpu.vector_load %arg10[%swap3A_140, %swap3A_141] {strides = array<i32>} : memref<16x64xbf16, #tpu.memory_space<vmem>>, vector<1x32xbf16>,
    %swap3A_143 = vector.shape_cast %swap3A_142 : vector<1x32xbf16> to vector<32xbf16>
    %swap3A_144 = vector.shape_cast %broadcast_in_dim3A_1 : vector<32xbf16> to vector<1x32xbf16>
    tpu.vector_store %arg10[%swap3A_140, %swap3A_141], %swap3A_144 {strides = array<i32>} : memref<16x64xbf16, #tpu.memory_space<vmem>>, vector<1x32xbf16>,
    %swap3A_145 = arith.constant 12 : i32
    %swap3A_146 = arith.index_cast %swap3A_145 : i32 to index
    %swap3A_147 = arith.constant 0 : index
    %swap3A_148 = tpu.vector_load %arg10[%swap3A_146, %swap3A_147] {strides = array<i32>} : memref<16x64xbf16, #tpu.memory_space<vmem>>, vector<1x32xbf16>,
    %swap3A_149 = vector.shape_cast %swap3A_148 : vector<1x32xbf16> to vector<32xbf16>
    %swap3A_150 = vector.shape_cast %broadcast_in_dim3A_1 : vector<32xbf16> to vector<1x32xbf16>
    tpu.vector_store %arg10[%swap3A_146, %swap3A_147], %swap3A_150 {strides = array<i32>} : memref<16x64xbf16, #tpu.memory_space<vmem>>, vector<1x32xbf16>,
    %swap3A_151 = arith.constant 12 : i32
    %swap3A_152 = arith.index_cast %swap3A_151 : i32 to index
    %swap3A_153 = arith.constant 32 : index
    %swap3A_154 = tpu.vector_load %arg10[%swap3A_152, %swap3A_153] {strides = array<i32>} : memref<16x64xbf16, #tpu.memory_space<vmem>>, vector<1x32xbf16>,
    %swap3A_155 = vector.shape_cast %swap3A_154 : vector<1x32xbf16> to vector<32xbf16>
    %swap3A_156 = vector.shape_cast %broadcast_in_dim3A_1 : vector<32xbf16> to vector<1x32xbf16>
    tpu.vector_store %arg10[%swap3A_152, %swap3A_153], %swap3A_156 {strides = array<i32>} : memref<16x64xbf16, #tpu.memory_space<vmem>>, vector<1x32xbf16>,
    %swap3A_157 = arith.constant 13 : i32
    %swap3A_158 = arith.index_cast %swap3A_157 : i32 to index
    %swap3A_159 = arith.constant 0 : index
    %swap3A_160 = tpu.vector_load %arg10[%swap3A_158, %swap3A_159] {strides = array<i32>} : memref<16x64xbf16, #tpu.memory_space<vmem>>, vector<1x32xbf16>,
    %swap3A_161 = vector.shape_cast %swap3A_160 : vector<1x32xbf16> to vector<32xbf16>
    %swap3A_162 = vector.shape_cast %broadcast_in_dim3A_1 : vector<32xbf16> to vector<1x32xbf16>
    tpu.vector_store %arg10[%swap3A_158, %swap3A_159], %swap3A_162 {strides = array<i32>} : memref<16x64xbf16, #tpu.memory_space<vmem>>, vector<1x32xbf16>,
    %swap3A_163 = arith.constant 13 : i32
    %swap3A_164 = arith.index_cast %swap3A_163 : i32 to index
    %swap3A_165 = arith.constant 32 : index
    %swap3A_166 = tpu.vector_load %arg10[%swap3A_164, %swap3A_165] {strides = array<i32>} : memref<16x64xbf16, #tpu.memory_space<vmem>>, vector<1x32xbf16>,
    %swap3A_167 = vector.shape_cast %swap3A_166 : vector<1x32xbf16> to vector<32xbf16>
    %swap3A_168 = vector.shape_cast %broadcast_in_dim3A_1 : vector<32xbf16> to vector<1x32xbf16>
    tpu.vector_store %arg10[%swap3A_164, %swap3A_165], %swap3A_168 {strides = array<i32>} : memref<16x64xbf16, #tpu.memory_space<vmem>>, vector<1x32xbf16>,
    %swap3A_169 = arith.constant 14 : i32
    %swap3A_170 = arith.index_cast %swap3A_169 : i32 to index
    %swap3A_171 = arith.constant 0 : index
    %swap3A_172 = tpu.vector_load %arg10[%swap3A_170, %swap3A_171] {strides = array<i32>} : memref<16x64xbf16, #tpu.memory_space<vmem>>, vector<1x32xbf16>,
    %swap3A_173 = vector.shape_cast %swap3A_172 : vector<1x32xbf16> to vector<32xbf16>
    %swap3A_174 = vector.shape_cast %broadcast_in_dim3A_1 : vector<32xbf16> to vector<1x32xbf16>
    tpu.vector_store %arg10[%swap3A_170, %swap3A_171], %swap3A_174 {strides = array<i32>} : memref<16x64xbf16, #tpu.memory_space<vmem>>, vector<1x32xbf16>,
    %swap3A_175 = arith.constant 14 : i32
    %swap3A_176 = arith.index_cast %swap3A_175 : i32 to index
    %swap3A_177 = arith.constant 32 : index
    %swap3A_178 = tpu.vector_load %arg10[%swap3A_176, %swap3A_177] {strides = array<i32>} : memref<16x64xbf16, #tpu.memory_space<vmem>>, vector<1x32xbf16>,
    %swap3A_179 = vector.shape_cast %swap3A_178 : vector<1x32xbf16> to vector<32xbf16>
    %swap3A_180 = vector.shape_cast %broadcast_in_dim3A_1 : vector<32xbf16> to vector<1x32xbf16>
    tpu.vector_store %arg10[%swap3A_176, %swap3A_177], %swap3A_180 {strides = array<i32>} : memref<16x64xbf16, #tpu.memory_space<vmem>>, vector<1x32xbf16>,
    %swap3A_181 = arith.constant 15 : i32
    %swap3A_182 = arith.index_cast %swap3A_181 : i32 to index
    %swap3A_183 = arith.constant 0 : index
    %swap3A_184 = tpu.vector_load %arg10[%swap3A_182, %swap3A_183] {strides = array<i32>} : memref<16x64xbf16, #tpu.memory_space<vmem>>, vector<1x32xbf16>,
    %swap3A_185 = vector.shape_cast %swap3A_184 : vector<1x32xbf16> to vector<32xbf16>
    %swap3A_186 = vector.shape_cast %broadcast_in_dim3A_1 : vector<32xbf16> to vector<1x32xbf16>
    tpu.vector_store %arg10[%swap3A_182, %swap3A_183], %swap3A_186 {strides = array<i32>} : memref<16x64xbf16, #tpu.memory_space<vmem>>, vector<1x32xbf16>,
    %swap3A_187 = arith.constant 15 : i32
    %swap3A_188 = arith.index_cast %swap3A_187 : i32 to index
    %swap3A_189 = arith.constant 32 : index
    %swap3A_190 = tpu.vector_load %arg10[%swap3A_188, %swap3A_189] {strides = array<i32>} : memref<16x64xbf16, #tpu.memory_space<vmem>>, vector<1x32xbf16>,
    %swap3A_191 = vector.shape_cast %swap3A_190 : vector<1x32xbf16> to vector<32xbf16>
    %swap3A_192 = vector.shape_cast %broadcast_in_dim3A_1 : vector<32xbf16> to vector<1x32xbf16>
    tpu.vector_store %arg10[%swap3A_188, %swap3A_189], %swap3A_192 {strides = array<i32>} : memref<16x64xbf16, #tpu.memory_space<vmem>>, vector<1x32xbf16>,
    %mul3A_193 = arith.constant 640 : i32
    %mul3A_194 = arith.muli %arg1, %mul3A_193 : i32
    "tpu.trace_start"() <{level = 10 : i32, message = "agg_zero"}> : () -> ()
    %scan3A = arith.constant 0 : i32
    %scan3A_195 = arith.constant 0 : i32
    %scan3A_196 = arith.constant 40 : i32
    %scan3A_197 = arith.addi %scan3A_195, %scan3A_196 : i32
    %scan3A_198 = arith.constant 1 : i32
    scf.for %scan3A_218 = %scan3A_195 to %scan3A_197 step %scan3A_198  : i32 {
      %mul3A_219 = arith.constant 16 : i32
      %mul3A_220 = arith.muli %scan3A_218, %mul3A_219 : i32
      %add3A_221 = arith.addi %mul3A_194, %mul3A_220 : i32
      "tpu.region"() ({
        %run_scoped3A = tpu.sem_alloc : memref<!tpu.dma_semaphore, #tpu.memory_space<semaphore_mem>>
        %dma_start3A = arith.constant 0 : i32
        %dma_start3A_222 = tpu.memref_slice %arg11[%add3A_221, %dma_start3A] : memref<10240x64xbf16, #tpu.memory_space<vmem_shared>> -> memref<16x64xbf16, #tpu.memory_space<vmem_shared>>
        %dma_start3A_223 = arith.constant 0 : i32
        %dma_start3A_224 = tpu.memref_slice %arg11[%add3A_221, %dma_start3A_223] : memref<10240x64xbf16, #tpu.memory_space<vmem_shared>> -> memref<16x64xbf16, #tpu.memory_space<vmem_shared>>
        tpu.enqueue_dma source(%arg10 : memref<16x64xbf16, #tpu.memory_space<vmem>>) target(%dma_start3A_224 : memref<16x64xbf16, #tpu.memory_space<vmem_shared>>) target_semaphore(%run_scoped3A : memref<!tpu.dma_semaphore, #tpu.memory_space<semaphore_mem>>)
        %dma_wait3A = arith.constant 0 : i32
        %dma_wait3A_225 = tpu.memref_slice %arg11[%add3A_221, %dma_wait3A] : memref<10240x64xbf16, #tpu.memory_space<vmem_shared>> -> memref<16x64xbf16, #tpu.memory_space<vmem_shared>>
        %dma_wait3A_226 = arith.constant 0 : i32
        %dma_wait3A_227 = tpu.memref_slice %arg11[%add3A_221, %dma_wait3A_226] : memref<10240x64xbf16, #tpu.memory_space<vmem_shared>> -> memref<16x64xbf16, #tpu.memory_space<vmem_shared>>
        tpu.wait_dma2 semaphore(%run_scoped3A : memref<!tpu.dma_semaphore, #tpu.memory_space<semaphore_mem>>) src(%arg10 : memref<16x64xbf16, #tpu.memory_space<vmem>>) dst(%dma_wait3A_227 : memref<16x64xbf16, #tpu.memory_space<vmem_shared>>)
        tpu.yield
      }) : () -> ()
    }
    %scan3A_199 = arith.constant 40 : i32
    %barrier3A = arith.constant 0 : index
    tpu.barrier barrier_id(%barrier3A)
    %eq3A = arith.constant 0 : i32
    "tpu.trace_stop"() : () -> ()
    "tpu.trace_start"() <{level = 10 : i32, message = "agg_main"}> : () -> ()
    %eq3A_200 = arith.cmpi eq, %arg0, %eq3A : i32
    %jit3A = arith.constant 14 : i32
    %jit3A_201 = arith.constant 6 : i32
    %select_n3A = arith.select %eq3A_200, %jit3A, %jit3A_201 : i32
    %while3A = arith.constant 0 : i32
    %while3A_202 = arith.constant 0 : i32
    %while3A_203 = arith.subi %select_n3A, %while3A_202 : i32
    %while3A_204 = arith.addi %while3A_202, %while3A_203 : i32
    %while3A_205 = arith.constant 1 : i32
    %while3A_206 = arith.divsi %while3A_203, %while3A_205 : i32
    %while3A_207 = arith.muli %while3A_206, %while3A_205 : i32
    %while3A_208 = arith.addi %while3A_202, %while3A_207 : i32
    %while3A_209 = arith.constant 1 : i32
    scf.for %while3A_218 = %while3A_202 to %while3A_208 step %while3A_209  : i32 {
      "tpu.trace_start"() <{level = 10 : i32, message = "agg_gather"}> : () -> ()
      %dma_start3A = arith.constant 0 : i32
      %dma_start3A_219 = tpu.memref_slice %arg6[%while3A_218, %dma_start3A] : memref<14x1024xi32, #tpu.memory_space<vmem>> -> memref<1x1024xi32, #tpu.memory_space<vmem>>
      %dma_start3A_220 = tpu.memref_squeeze %dma_start3A_219 : memref<1x1024xi32, #tpu.memory_space<vmem>> -> memref<1024xi32, #tpu.memory_space<vmem>>
      %dma_start3A_221 = arith.constant 0 : i32
      %dma_start3A_222 = arith.constant 0 : i32
      %dma_start3A_223 = tpu.memref_slice %arg2[%dma_start3A_221, %dma_start3A_222] : memref<10000x64xbf16, #tpu.memory_space<hbm>> -> memref<10000x64xbf16, #tpu.memory_space<hbm>>
      tpu.enqueue_indirect_dma source(%dma_start3A_223 : memref<10000x64xbf16, #tpu.memory_space<hbm>>) target(%arg8 : memref<1024x64xbf16, #tpu.memory_space<vmem>>) offsets(%dma_start3A_220 : memref<1024xi32, #tpu.memory_space<vmem>>) semaphore(%arg12 : memref<!tpu.dma_semaphore, #tpu.memory_space<semaphore_mem>>)
      %dma_wait3A = arith.constant 0 : i32
      %dma_wait3A_224 = tpu.memref_slice %arg6[%while3A_218, %dma_wait3A] : memref<14x1024xi32, #tpu.memory_space<vmem>> -> memref<1x1024xi32, #tpu.memory_space<vmem>>
      %dma_wait3A_225 = tpu.memref_squeeze %dma_wait3A_224 : memref<1x1024xi32, #tpu.memory_space<vmem>> -> memref<1024xi32, #tpu.memory_space<vmem>>
      %dma_wait3A_226 = arith.constant 0 : i32
      %dma_wait3A_227 = arith.constant 0 : i32
      %dma_wait3A_228 = tpu.memref_slice %arg2[%dma_wait3A_226, %dma_wait3A_227] : memref<10000x64xbf16, #tpu.memory_space<hbm>> -> memref<10000x64xbf16, #tpu.memory_space<hbm>>
      tpu.wait_indirect_dma semaphore(%arg12 : memref<!tpu.dma_semaphore, #tpu.memory_space<semaphore_mem>>) src(%dma_wait3A_228 : memref<10000x64xbf16, #tpu.memory_space<hbm>>) dst(%arg8 : memref<1024x64xbf16, #tpu.memory_space<vmem>>)
      "tpu.trace_stop"() : () -> ()
      "tpu.trace_start"() <{level = 10 : i32, message = "agg_scatter"}> : () -> ()
      "tpu.region"() ({
        %run_scoped3A = tpu.sem_alloc : memref<!tpu.dma_semaphore, #tpu.memory_space<semaphore_mem>>
        %dma_start3A_229 = arith.constant 0 : i32
        %dma_start3A_230 = tpu.memref_slice %arg7[%while3A_218, %dma_start3A_229] : memref<14x1024xi32, #tpu.memory_space<vmem>> -> memref<1x1024xi32, #tpu.memory_space<vmem>>
        %dma_start3A_231 = tpu.memref_squeeze %dma_start3A_230 : memref<1x1024xi32, #tpu.memory_space<vmem>> -> memref<1024xi32, #tpu.memory_space<vmem>>
        %dma_start3A_232 = arith.constant 0 : i32
        %dma_start3A_233 = arith.constant 0 : i32
        %dma_start3A_234 = tpu.memref_slice %arg11[%dma_start3A_232, %dma_start3A_233] : memref<10240x64xbf16, #tpu.memory_space<vmem_shared>> -> memref<10240x64xbf16, #tpu.memory_space<vmem_shared>>
        tpu.enqueue_indirect_dma source(%arg8 : memref<1024x64xbf16, #tpu.memory_space<vmem>>) target(%dma_start3A_234 : memref<10240x64xbf16, #tpu.memory_space<vmem_shared>>) offsets(%dma_start3A_231 : memref<1024xi32, #tpu.memory_space<vmem>>) semaphore(%run_scoped3A : memref<!tpu.dma_semaphore, #tpu.memory_space<semaphore_mem>>) {add = true}
        %dma_wait3A_235 = arith.constant 0 : i32
        %dma_wait3A_236 = tpu.memref_slice %arg7[%while3A_218, %dma_wait3A_235] : memref<14x1024xi32, #tpu.memory_space<vmem>> -> memref<1x1024xi32, #tpu.memory_space<vmem>>
        %dma_wait3A_237 = tpu.memref_squeeze %dma_wait3A_236 : memref<1x1024xi32, #tpu.memory_space<vmem>> -> memref<1024xi32, #tpu.memory_space<vmem>>
        %dma_wait3A_238 = arith.constant 0 : i32
        %dma_wait3A_239 = arith.constant 0 : i32
        %dma_wait3A_240 = tpu.memref_slice %arg11[%dma_wait3A_238, %dma_wait3A_239] : memref<10240x64xbf16, #tpu.memory_space<vmem_shared>> -> memref<10240x64xbf16, #tpu.memory_space<vmem_shared>>
        tpu.wait_indirect_dma semaphore(%run_scoped3A : memref<!tpu.dma_semaphore, #tpu.memory_space<semaphore_mem>>) src(%arg8 : memref<1024x64xbf16, #tpu.memory_space<vmem>>) dst(%dma_wait3A_240 : memref<10240x64xbf16, #tpu.memory_space<vmem_shared>>)
        tpu.yield
      }) : () -> ()
      "tpu.trace_stop"() : () -> ()
    }
    %while3A_210 = arith.constant 1 : i32
    scf.for %while3A_218 = %while3A_208 to %while3A_204 step %while3A_210  : i32 {
      "tpu.trace_start"() <{level = 10 : i32, message = "agg_gather"}> : () -> ()
      %dma_start3A = arith.constant 0 : i32
      %dma_start3A_219 = tpu.memref_slice %arg6[%while3A_218, %dma_start3A] : memref<14x1024xi32, #tpu.memory_space<vmem>> -> memref<1x1024xi32, #tpu.memory_space<vmem>>
      %dma_start3A_220 = tpu.memref_squeeze %dma_start3A_219 : memref<1x1024xi32, #tpu.memory_space<vmem>> -> memref<1024xi32, #tpu.memory_space<vmem>>
      %dma_start3A_221 = arith.constant 0 : i32
      %dma_start3A_222 = arith.constant 0 : i32
      %dma_start3A_223 = tpu.memref_slice %arg2[%dma_start3A_221, %dma_start3A_222] : memref<10000x64xbf16, #tpu.memory_space<hbm>> -> memref<10000x64xbf16, #tpu.memory_space<hbm>>
      tpu.enqueue_indirect_dma source(%dma_start3A_223 : memref<10000x64xbf16, #tpu.memory_space<hbm>>) target(%arg8 : memref<1024x64xbf16, #tpu.memory_space<vmem>>) offsets(%dma_start3A_220 : memref<1024xi32, #tpu.memory_space<vmem>>) semaphore(%arg12 : memref<!tpu.dma_semaphore, #tpu.memory_space<semaphore_mem>>)
      %dma_wait3A = arith.constant 0 : i32
      %dma_wait3A_224 = tpu.memref_slice %arg6[%while3A_218, %dma_wait3A] : memref<14x1024xi32, #tpu.memory_space<vmem>> -> memref<1x1024xi32, #tpu.memory_space<vmem>>
      %dma_wait3A_225 = tpu.memref_squeeze %dma_wait3A_224 : memref<1x1024xi32, #tpu.memory_space<vmem>> -> memref<1024xi32, #tpu.memory_space<vmem>>
      %dma_wait3A_226 = arith.constant 0 : i32
      %dma_wait3A_227 = arith.constant 0 : i32
      %dma_wait3A_228 = tpu.memref_slice %arg2[%dma_wait3A_226, %dma_wait3A_227] : memref<10000x64xbf16, #tpu.memory_space<hbm>> -> memref<10000x64xbf16, #tpu.memory_space<hbm>>
      tpu.wait_indirect_dma semaphore(%arg12 : memref<!tpu.dma_semaphore, #tpu.memory_space<semaphore_mem>>) src(%dma_wait3A_228 : memref<10000x64xbf16, #tpu.memory_space<hbm>>) dst(%arg8 : memref<1024x64xbf16, #tpu.memory_space<vmem>>)
      "tpu.trace_stop"() : () -> ()
      "tpu.trace_start"() <{level = 10 : i32, message = "agg_scatter"}> : () -> ()
      "tpu.region"() ({
        %run_scoped3A = tpu.sem_alloc : memref<!tpu.dma_semaphore, #tpu.memory_space<semaphore_mem>>
        %dma_start3A_229 = arith.constant 0 : i32
        %dma_start3A_230 = tpu.memref_slice %arg7[%while3A_218, %dma_start3A_229] : memref<14x1024xi32, #tpu.memory_space<vmem>> -> memref<1x1024xi32, #tpu.memory_space<vmem>>
        %dma_start3A_231 = tpu.memref_squeeze %dma_start3A_230 : memref<1x1024xi32, #tpu.memory_space<vmem>> -> memref<1024xi32, #tpu.memory_space<vmem>>
        %dma_start3A_232 = arith.constant 0 : i32
        %dma_start3A_233 = arith.constant 0 : i32
        %dma_start3A_234 = tpu.memref_slice %arg11[%dma_start3A_232, %dma_start3A_233] : memref<10240x64xbf16, #tpu.memory_space<vmem_shared>> -> memref<10240x64xbf16, #tpu.memory_space<vmem_shared>>
        tpu.enqueue_indirect_dma source(%arg8 : memref<1024x64xbf16, #tpu.memory_space<vmem>>) target(%dma_start3A_234 : memref<10240x64xbf16, #tpu.memory_space<vmem_shared>>) offsets(%dma_start3A_231 : memref<1024xi32, #tpu.memory_space<vmem>>) semaphore(%run_scoped3A : memref<!tpu.dma_semaphore, #tpu.memory_space<semaphore_mem>>) {add = true}
        %dma_wait3A_235 = arith.constant 0 : i32
        %dma_wait3A_236 = tpu.memref_slice %arg7[%while3A_218, %dma_wait3A_235] : memref<14x1024xi32, #tpu.memory_space<vmem>> -> memref<1x1024xi32, #tpu.memory_space<vmem>>
        %dma_wait3A_237 = tpu.memref_squeeze %dma_wait3A_236 : memref<1x1024xi32, #tpu.memory_space<vmem>> -> memref<1024xi32, #tpu.memory_space<vmem>>
        %dma_wait3A_238 = arith.constant 0 : i32
        %dma_wait3A_239 = arith.constant 0 : i32
        %dma_wait3A_240 = tpu.memref_slice %arg11[%dma_wait3A_238, %dma_wait3A_239] : memref<10240x64xbf16, #tpu.memory_space<vmem_shared>> -> memref<10240x64xbf16, #tpu.memory_space<vmem_shared>>
        tpu.wait_indirect_dma semaphore(%run_scoped3A : memref<!tpu.dma_semaphore, #tpu.memory_space<semaphore_mem>>) src(%arg8 : memref<1024x64xbf16, #tpu.memory_space<vmem>>) dst(%dma_wait3A_240 : memref<10240x64xbf16, #tpu.memory_space<vmem_shared>>)
        tpu.yield
      }) : () -> ()
      "tpu.trace_stop"() : () -> ()
    }
    "tpu.trace_stop"() : () -> ()
    "tpu.trace_start"() <{level = 10 : i32, message = "agg_bar"}> : () -> ()
    %barrier3A_211 = arith.constant 0 : index
    tpu.barrier barrier_id(%barrier3A_211)
    "tpu.trace_stop"() : () -> ()
    "tpu.trace_start"() <{level = 10 : i32, message = "agg_out"}> : () -> ()
    %scan3A_212 = arith.constant 0 : i32
    %scan3A_213 = arith.constant 0 : i32
    %scan3A_214 = arith.constant 5 : i32
    %scan3A_215 = arith.addi %scan3A_213, %scan3A_214 : i32
    %scan3A_216 = arith.constant 1 : i32
    scf.for %scan3A_218 = %scan3A_213 to %scan3A_215 step %scan3A_216  : i32 {
      %mul3A_219 = arith.constant 128 : i32
      %mul3A_220 = arith.muli %scan3A_218, %mul3A_219 : i32
      %add3A_221 = arith.addi %mul3A_194, %mul3A_220 : i32
      "tpu.region"() ({
        %run_scoped3A = tpu.sem_alloc : memref<!tpu.dma_semaphore, #tpu.memory_space<semaphore_mem>>
        %dma_start3A = arith.constant 0 : i32
        %dma_start3A_222 = tpu.memref_slice %arg11[%add3A_221, %dma_start3A] : memref<10240x64xbf16, #tpu.memory_space<vmem_shared>> -> memref<128x64xbf16, #tpu.memory_space<vmem_shared>>
        %dma_start3A_223 = arith.constant 0 : i32
        %dma_start3A_224 = tpu.memref_slice %arg11[%add3A_221, %dma_start3A_223] : memref<10240x64xbf16, #tpu.memory_space<vmem_shared>> -> memref<128x64xbf16, #tpu.memory_space<vmem_shared>>
        tpu.enqueue_dma source(%dma_start3A_224 : memref<128x64xbf16, #tpu.memory_space<vmem_shared>>) target(%arg9 : memref<128x64xbf16, #tpu.memory_space<vmem>>) target_semaphore(%run_scoped3A : memref<!tpu.dma_semaphore, #tpu.memory_space<semaphore_mem>>)
        %dma_wait3A = arith.constant 0 : i32
        %dma_wait3A_225 = tpu.memref_slice %arg11[%add3A_221, %dma_wait3A] : memref<10240x64xbf16, #tpu.memory_space<vmem_shared>> -> memref<128x64xbf16, #tpu.memory_space<vmem_shared>>
        %dma_wait3A_226 = arith.constant 0 : i32
        %dma_wait3A_227 = tpu.memref_slice %arg11[%add3A_221, %dma_wait3A_226] : memref<10240x64xbf16, #tpu.memory_space<vmem_shared>> -> memref<128x64xbf16, #tpu.memory_space<vmem_shared>>
        tpu.wait_dma2 semaphore(%run_scoped3A : memref<!tpu.dma_semaphore, #tpu.memory_space<semaphore_mem>>) src(%dma_wait3A_227 : memref<128x64xbf16, #tpu.memory_space<vmem_shared>>) dst(%arg9 : memref<128x64xbf16, #tpu.memory_space<vmem>>)
        tpu.yield
      }) : () -> ()
      "tpu.region"() ({
        %run_scoped3A = tpu.sem_alloc : memref<!tpu.dma_semaphore, #tpu.memory_space<semaphore_mem>>
        %dma_start3A = arith.constant 0 : i32
        %dma_start3A_222 = tpu.memref_slice %arg5[%arg0, %add3A_221, %dma_start3A] : memref<2x10240x64xbf16, #tpu.memory_space<hbm>> -> memref<1x128x64xbf16, #tpu.memory_space<hbm>>
        %dma_start3A_223 = tpu.memref_squeeze %dma_start3A_222 : memref<1x128x64xbf16, #tpu.memory_space<hbm>> -> memref<128x64xbf16, #tpu.memory_space<hbm>>
        %dma_start3A_224 = arith.constant 0 : i32
        %dma_start3A_225 = tpu.memref_slice %arg5[%arg0, %add3A_221, %dma_start3A_224] : memref<2x10240x64xbf16, #tpu.memory_space<hbm>> -> memref<1x128x64xbf16, #tpu.memory_space<hbm>>
        %dma_start3A_226 = tpu.memref_squeeze %dma_start3A_225 : memref<1x128x64xbf16, #tpu.memory_space<hbm>> -> memref<128x64xbf16, #tpu.memory_space<hbm>>
        tpu.enqueue_dma source(%arg9 : memref<128x64xbf16, #tpu.memory_space<vmem>>) target(%dma_start3A_226 : memref<128x64xbf16, #tpu.memory_space<hbm>>) target_semaphore(%run_scoped3A : memref<!tpu.dma_semaphore, #tpu.memory_space<semaphore_mem>>)
        %dma_wait3A = arith.constant 0 : i32
        %dma_wait3A_227 = tpu.memref_slice %arg5[%arg0, %add3A_221, %dma_wait3A] : memref<2x10240x64xbf16, #tpu.memory_space<hbm>> -> memref<1x128x64xbf16, #tpu.memory_space<hbm>>
        %dma_wait3A_228 = tpu.memref_squeeze %dma_wait3A_227 : memref<1x128x64xbf16, #tpu.memory_space<hbm>> -> memref<128x64xbf16, #tpu.memory_space<hbm>>
        %dma_wait3A_229 = arith.constant 0 : i32
        %dma_wait3A_230 = tpu.memref_slice %arg5[%arg0, %add3A_221, %dma_wait3A_229] : memref<2x10240x64xbf16, #tpu.memory_space<hbm>> -> memref<1x128x64xbf16, #tpu.memory_space<hbm>>
        %dma_wait3A_231 = tpu.memref_squeeze %dma_wait3A_230 : memref<1x128x64xbf16, #tpu.memory_space<hbm>> -> memref<128x64xbf16, #tpu.memory_space<hbm>>
        tpu.wait_dma2 semaphore(%run_scoped3A : memref<!tpu.dma_semaphore, #tpu.memory_space<semaphore_mem>>) src(%arg9 : memref<128x64xbf16, #tpu.memory_space<vmem>>) dst(%dma_wait3A_231 : memref<128x64xbf16, #tpu.memory_space<hbm>>)
        tpu.yield
      }) : () -> ()
    }
    %scan3A_217 = arith.constant 5 : i32
    "tpu.trace_stop"() : () -> ()
    return
  }
}

module attributes {stable_mosaic.version = 14 : i64} {
  func.func @_tc1_body(%arg0: memref<10000x128xf32, #tpu.memory_space<vmem>>, %arg1: memref<64x128xf32, #tpu.memory_space<vmem>>, %arg2: memref<64x128xf32, #tpu.memory_space<vmem>>, %arg3: memref<64xf32, #tpu.memory_space<vmem>>, %arg4: memref<10000x96xbf16, #tpu.memory_space<vmem>>, %arg5: memref<10000x64xf32, #tpu.memory_space<vmem>>) attributes {dimension_semantics = [], scalar_prefetch = 0 : i64, scratch_operands = 0 : i64, tpu.core_type = #tpu.core_type<tc>} {
    %get3A = arith.constant 0 : index
    %get3A_0 = arith.constant 0 : index
    %get3A_1 = vector.load %arg0[%get3A, %get3A_0] : memref<10000x128xf32, #tpu.memory_space<vmem>>, vector<10000x128xf32>
    %get3A_2 = arith.constant 0 : index
    %get3A_3 = arith.constant 0 : index
    %get3A_4 = vector.load %arg1[%get3A_2, %get3A_3] : memref<64x128xf32, #tpu.memory_space<vmem>>, vector<64x128xf32>
    %dot_general3A = arith.constant dense<0.000000e+00> : vector<10000x64xf32>
    %dot_general3A_5 = tpu.matmul %get3A_1, %get3A_4, %dot_general3A {dimension_numbers = #tpu.dot_dimension_numbers<[1], [1], [0], [0], [0, 0, 1, 0], [], []>, transpose_lhs_hint = false} : vector<10000x128xf32>, vector<64x128xf32>, vector<10000x64xf32> -> vector<10000x64xf32>
    %iota3A = tpu.iota {dimensions = array<i32: 1>} : vector<10000x32xi32>
    %eq3A = arith.constant 0 : i32
    %eq3A_6 = vector.broadcast %eq3A : i32 to vector<10000x32xi32>
    %eq3A_7 = arith.cmpi eq, %iota3A, %eq3A_6 : vector<10000x32xi32>
    %jit3A = arith.constant 1.000000e+00 : f32
    %jit3A_8 = arith.constant 0.000000e+00 : f32
    %broadcast_in_dim3A = vector.broadcast %jit3A : f32 to vector<10000x32xf32>
    %broadcast_in_dim3A_9 = vector.broadcast %jit3A_8 : f32 to vector<10000x32xf32>
    %select_n3A = arith.select %eq3A_7, %broadcast_in_dim3A, %broadcast_in_dim3A_9 : vector<10000x32xi1>, vector<10000x32xf32>
    %concatenate3A = tpu.concatenate %dot_general3A_5, %select_n3A in 1 : vector<10000x64xf32>, vector<10000x32xf32> -> vector<10000x96xf32>
    %convert_element_type3A = arith.truncf %concatenate3A : vector<10000x96xf32> to vector<10000x96xbf16>
    %swap3A = arith.constant 0 : index
    %swap3A_10 = arith.constant 0 : index
    %swap3A_11 = vector.load %arg4[%swap3A, %swap3A_10] : memref<10000x96xbf16, #tpu.memory_space<vmem>>, vector<10000x96xbf16>
    tpu.vector_store %arg4[%swap3A, %swap3A_10], %convert_element_type3A {strides = array<i32>} : memref<10000x96xbf16, #tpu.memory_space<vmem>>, vector<10000x96xbf16>,
    %get3A_12 = arith.constant 0 : index
    %get3A_13 = arith.constant 0 : index
    %get3A_14 = vector.load %arg2[%get3A_12, %get3A_13] : memref<64x128xf32, #tpu.memory_space<vmem>>, vector<64x128xf32>
    %dot_general3A_15 = arith.constant dense<0.000000e+00> : vector<10000x64xf32>
    %dot_general3A_16 = tpu.matmul %get3A_1, %get3A_14, %dot_general3A_15 {dimension_numbers = #tpu.dot_dimension_numbers<[1], [1], [0], [0], [0, 0, 1, 0], [], []>, transpose_lhs_hint = false} : vector<10000x128xf32>, vector<64x128xf32>, vector<10000x64xf32> -> vector<10000x64xf32>
    %get3A_17 = arith.constant 0 : index
    %get3A_18 = vector.load %arg3[%get3A_17] : memref<64xf32, #tpu.memory_space<vmem>>, vector<64xf32>
    %broadcast_in_dim3A_19 = vector.shape_cast %get3A_18 : vector<64xf32> to vector<1x64xf32>
    %add3A = vector.broadcast %broadcast_in_dim3A_19 : vector<1x64xf32> to vector<10000x64xf32>
    %add3A_20 = arith.addf %dot_general3A_16, %add3A : vector<10000x64xf32>
    %swap3A_21 = arith.constant 0 : index
    %swap3A_22 = arith.constant 0 : index
    %swap3A_23 = vector.load %arg5[%swap3A_21, %swap3A_22] : memref<10000x64xf32, #tpu.memory_space<vmem>>, vector<10000x64xf32>
    tpu.vector_store %arg5[%swap3A_21, %swap3A_22], %add3A_20 {strides = array<i32>} : memref<10000x64xf32, #tpu.memory_space<vmem>>, vector<10000x64xf32>,
    return
  }
}

module attributes {stable_mosaic.version = 14 : i64} {
  func.func @_tc2_body(%arg0: memref<2x10240x96xbf16, #tpu.memory_space<vmem>>, %arg1: memref<10000x64xf32, #tpu.memory_space<vmem>>, %arg2: memref<64x64xf32, #tpu.memory_space<vmem>>, %arg3: memref<64x64xf32, #tpu.memory_space<vmem>>, %arg4: memref<64xf32, #tpu.memory_space<vmem>>, %arg5: memref<10000x64xbf16, #tpu.memory_space<vmem>>, %arg6: memref<10000x64xf32, #tpu.memory_space<vmem>>) attributes {dimension_semantics = [], scalar_prefetch = 0 : i64, scratch_operands = 0 : i64, tpu.core_type = #tpu.core_type<tc>} {
    %get3A = arith.constant 0 : index
    %get3A_0 = arith.constant 0 : index
    %get3A_1 = arith.constant 0 : index
    %get3A_2 = vector.load %arg0[%get3A, %get3A_0, %get3A_1] : memref<2x10240x96xbf16, #tpu.memory_space<vmem>>, vector<1x10240x96xbf16>
    %get3A_3 = vector.shape_cast %get3A_2 : vector<1x10240x96xbf16> to vector<10240x96xbf16>
    %convert_element_type3A = arith.extf %get3A_3 : vector<10240x96xbf16> to vector<10240x96xf32>
    %get3A_4 = arith.constant 1 : index
    %get3A_5 = arith.constant 0 : index
    %get3A_6 = arith.constant 0 : index
    %get3A_7 = vector.load %arg0[%get3A_4, %get3A_5, %get3A_6] : memref<2x10240x96xbf16, #tpu.memory_space<vmem>>, vector<1x10240x96xbf16>
    %get3A_8 = vector.shape_cast %get3A_7 : vector<1x10240x96xbf16> to vector<10240x96xbf16>
    %convert_element_type3A_9 = arith.extf %get3A_8 : vector<10240x96xbf16> to vector<10240x96xf32>
    %add3A = arith.addf %convert_element_type3A, %convert_element_type3A_9 : vector<10240x96xf32>
    %slice3A = vector.extract_strided_slice %add3A {offsets = [0, 0], sizes = [10000, 64], strides = [1, 1]} : vector<10240x96xf32> to vector<10000x64xf32>
    %slice3A_10 = vector.extract_strided_slice %add3A {offsets = [0, 64], sizes = [10000, 1], strides = [1, 1]} : vector<10240x96xf32> to vector<10000x1xf32>
    %jit3A = arith.constant 1.000000e+00 : f32
    %max3A = vector.broadcast %jit3A : f32 to vector<10000x1xf32>
    %max3A_11 = arith.maximumf %max3A, %slice3A_10 : vector<10000x1xf32>
    %div3A = arith.constant 1.000000e+00 : f32
    %div3A_12 = vector.broadcast %div3A : f32 to vector<10000x1xf32>
    %div3A_13 = arith.divf %div3A_12, %max3A_11 : vector<10000x1xf32>
    %mul3A = vector.broadcast %div3A_13 : vector<10000x1xf32> to vector<10000x64xf32>
    %mul3A_14 = arith.mulf %slice3A, %mul3A : vector<10000x64xf32>
    %get3A_15 = arith.constant 0 : index
    %get3A_16 = arith.constant 0 : index
    %get3A_17 = vector.load %arg1[%get3A_15, %get3A_16] : memref<10000x64xf32, #tpu.memory_space<vmem>>, vector<10000x64xf32>
    %add3A_18 = arith.addf %mul3A_14, %get3A_17 : vector<10000x64xf32>
    %get3A_19 = arith.constant 0 : index
    %get3A_20 = arith.constant 0 : index
    %get3A_21 = vector.load %arg2[%get3A_19, %get3A_20] : memref<64x64xf32, #tpu.memory_space<vmem>>, vector<64x64xf32>
    %dot_general3A = arith.constant dense<0.000000e+00> : vector<10000x64xf32>
    %dot_general3A_22 = tpu.matmul %add3A_18, %get3A_21, %dot_general3A {dimension_numbers = #tpu.dot_dimension_numbers<[1], [1], [0], [0], [0, 0, 1, 0], [], []>, transpose_lhs_hint = false} : vector<10000x64xf32>, vector<64x64xf32>, vector<10000x64xf32> -> vector<10000x64xf32>
    %convert_element_type3A_23 = arith.truncf %dot_general3A_22 : vector<10000x64xf32> to vector<10000x64xbf16>
    %swap3A = arith.constant 0 : index
    %swap3A_24 = arith.constant 0 : index
    %swap3A_25 = vector.load %arg5[%swap3A, %swap3A_24] : memref<10000x64xbf16, #tpu.memory_space<vmem>>, vector<10000x64xbf16>
    tpu.vector_store %arg5[%swap3A, %swap3A_24], %convert_element_type3A_23 {strides = array<i32>} : memref<10000x64xbf16, #tpu.memory_space<vmem>>, vector<10000x64xbf16>,
    %get3A_26 = arith.constant 0 : index
    %get3A_27 = arith.constant 0 : index
    %get3A_28 = vector.load %arg3[%get3A_26, %get3A_27] : memref<64x64xf32, #tpu.memory_space<vmem>>, vector<64x64xf32>
    %dot_general3A_29 = arith.constant dense<0.000000e+00> : vector<10000x64xf32>
    %dot_general3A_30 = tpu.matmul %add3A_18, %get3A_28, %dot_general3A_29 {dimension_numbers = #tpu.dot_dimension_numbers<[1], [1], [0], [0], [0, 0, 1, 0], [], []>, transpose_lhs_hint = false} : vector<10000x64xf32>, vector<64x64xf32>, vector<10000x64xf32> -> vector<10000x64xf32>
    %get3A_31 = arith.constant 0 : index
    %get3A_32 = vector.load %arg4[%get3A_31] : memref<64xf32, #tpu.memory_space<vmem>>, vector<64xf32>
    %broadcast_in_dim3A = vector.shape_cast %get3A_32 : vector<64xf32> to vector<1x64xf32>
    %add3A_33 = vector.broadcast %broadcast_in_dim3A : vector<1x64xf32> to vector<10000x64xf32>
    %add3A_34 = arith.addf %dot_general3A_30, %add3A_33 : vector<10000x64xf32>
    %swap3A_35 = arith.constant 0 : index
    %swap3A_36 = arith.constant 0 : index
    %swap3A_37 = vector.load %arg6[%swap3A_35, %swap3A_36] : memref<10000x64xf32, #tpu.memory_space<vmem>>, vector<10000x64xf32>
    tpu.vector_store %arg6[%swap3A_35, %swap3A_36], %add3A_34 {strides = array<i32>} : memref<10000x64xf32, #tpu.memory_space<vmem>>, vector<10000x64xf32>,
    return
  }
}

module attributes {stable_mosaic.version = 14 : i64} {
  func.func @_tc3_body(%arg0: memref<2x10240x64xbf16, #tpu.memory_space<vmem>>, %arg1: memref<2x10240x96xbf16, #tpu.memory_space<vmem>>, %arg2: memref<10000x64xf32, #tpu.memory_space<vmem>>, %arg3: memref<10000x64xf32, #tpu.memory_space<vmem>>) attributes {dimension_semantics = [], scalar_prefetch = 0 : i64, scratch_operands = 0 : i64, tpu.core_type = #tpu.core_type<tc>} {
    %get3A = arith.constant 0 : index
    %get3A_0 = arith.constant 0 : index
    %get3A_1 = arith.constant 0 : index
    %get3A_2 = vector.load %arg0[%get3A, %get3A_0, %get3A_1] : memref<2x10240x64xbf16, #tpu.memory_space<vmem>>, vector<1x10240x64xbf16>
    %get3A_3 = vector.shape_cast %get3A_2 : vector<1x10240x64xbf16> to vector<10240x64xbf16>
    %convert_element_type3A = arith.extf %get3A_3 : vector<10240x64xbf16> to vector<10240x64xf32>
    %get3A_4 = arith.constant 1 : index
    %get3A_5 = arith.constant 0 : index
    %get3A_6 = arith.constant 0 : index
    %get3A_7 = vector.load %arg0[%get3A_4, %get3A_5, %get3A_6] : memref<2x10240x64xbf16, #tpu.memory_space<vmem>>, vector<1x10240x64xbf16>
    %get3A_8 = vector.shape_cast %get3A_7 : vector<1x10240x64xbf16> to vector<10240x64xbf16>
    %convert_element_type3A_9 = arith.extf %get3A_8 : vector<10240x64xbf16> to vector<10240x64xf32>
    %add3A = arith.addf %convert_element_type3A, %convert_element_type3A_9 : vector<10240x64xf32>
    %get3A_10 = arith.constant 0 : index
    %get3A_11 = arith.constant 0 : index
    %get3A_12 = arith.constant 64 : index
    %get3A_13 = vector.load %arg1[%get3A_10, %get3A_11, %get3A_12] : memref<2x10240x96xbf16, #tpu.memory_space<vmem>>, vector<1x10000x1xbf16>
    %get3A_14 = vector.shape_cast %get3A_13 : vector<1x10000x1xbf16> to vector<10000x1xbf16>
    %convert_element_type3A_15 = arith.extf %get3A_14 : vector<10000x1xbf16> to vector<10000x1xf32>
    %get3A_16 = arith.constant 1 : index
    %get3A_17 = arith.constant 0 : index
    %get3A_18 = arith.constant 64 : index
    %get3A_19 = vector.load %arg1[%get3A_16, %get3A_17, %get3A_18] : memref<2x10240x96xbf16, #tpu.memory_space<vmem>>, vector<1x10000x1xbf16>
    %get3A_20 = vector.shape_cast %get3A_19 : vector<1x10000x1xbf16> to vector<10000x1xbf16>
    %convert_element_type3A_21 = arith.extf %get3A_20 : vector<10000x1xbf16> to vector<10000x1xf32>
    %add3A_22 = arith.addf %convert_element_type3A_15, %convert_element_type3A_21 : vector<10000x1xf32>
    %jit3A = arith.constant 1.000000e+00 : f32
    %max3A = vector.broadcast %jit3A : f32 to vector<10000x1xf32>
    %max3A_23 = arith.maximumf %max3A, %add3A_22 : vector<10000x1xf32>
    %div3A = arith.constant 1.000000e+00 : f32
    %div3A_24 = vector.broadcast %div3A : f32 to vector<10000x1xf32>
    %div3A_25 = arith.divf %div3A_24, %max3A_23 : vector<10000x1xf32>
    %slice3A = vector.extract_strided_slice %add3A {offsets = [0, 0], sizes = [10000, 64], strides = [1, 1]} : vector<10240x64xf32> to vector<10000x64xf32>
    %mul3A = vector.broadcast %div3A_25 : vector<10000x1xf32> to vector<10000x64xf32>
    %mul3A_26 = arith.mulf %slice3A, %mul3A : vector<10000x64xf32>
    %get3A_27 = arith.constant 0 : index
    %get3A_28 = arith.constant 0 : index
    %get3A_29 = vector.load %arg2[%get3A_27, %get3A_28] : memref<10000x64xf32, #tpu.memory_space<vmem>>, vector<10000x64xf32>
    %add3A_30 = arith.addf %mul3A_26, %get3A_29 : vector<10000x64xf32>
    %swap3A = arith.constant 0 : index
    %swap3A_31 = arith.constant 0 : index
    %swap3A_32 = vector.load %arg3[%swap3A, %swap3A_31] : memref<10000x64xf32, #tpu.memory_space<vmem>>, vector<10000x64xf32>
    tpu.vector_store %arg3[%swap3A, %swap3A_31], %add3A_30 {strides = array<i32>} : memref<10000x64xf32, #tpu.memory_space<vmem>>, vector<10000x64xf32>,
    return
  }
}

</mosaic_0001>

<sc_bundles>
// kernel: kernel.10.cloned.1.call-start
scs
__scs_entry_jumppad:
0x0: {  	(pc) =	sbr.rel $0x88, $3  }
0x1: {  	(tag) =	ssettag $0x0;
	lr =	simm.s32 $0x1  }
0x2: {  	[smem:$0x3F99] =	sst lr;
	_ =	strace $0xD0000000  }
0x3: {  	_ = 	snop  }
0x4: {  	_ = 	snop  }
0x5: {  	_ = 	snop  }
0x6: {  	_ = 	snop  }
0x7: {  	_ = 	snop  }
__scs_overlays_trampoline_lowered:
0x8: {  	[smem:$0x3FA8] =	sst s0  }
0x9: {  	[smem:$0x3FA9] =	sst s1  }
0xa: {  	[smem:$0x3FAA] =	sst s2  }
0xb: {  	[smem:$0x3FAB] =	sst s3  }
0xc: {  	[smem:$0x3FAC] =	sst s4  }
0xd: {  	[smem:$0x3FAD] =	sst s5  }
0xe: {  	[smem:$0x3FAE] =	sst s6  }
0xf: {  	[smem:$0x3FAF] =	sst s7  }
0x10: {  	[smem:$0x3FB0] =	sst s8  }
0x11: {  	[smem:$0x3FB1] =	sst s9;
	s0 =	simm.s32 @!p0 $0x0  }
0x12: {  	s1 =	sld [smem:$0x3F97];
	s0 =	simm.s32 @p0 $0x1  }
0x13: {  	[smem:$0x3FB2] =	sst s0;
	s0 =	simm.s32 @!p1 $0x0  }
0x14: {  	s2 =	sld [smem:$0x3F96];
	s0 =	simm.s32 @p1 $0x1  }
0x15: {  	[smem:$0x3FB3] =	sst s0;
	s0 =	simm.s32 @!p2 $0x0  }
0x16: {  	s3 =	sld [smem:$0x3FDB];
	s0 =	simm.s32 @p2 $0x1  }
0x17: {  	s4 =	simm.s32 $0x1BF5;
	[smem:$0x3FB5] =	sst s0  }
0x18: {  	s0 =	sld [smem:$0x3F98];
	_ =	swait.ge [sflag:s4], $0x0  }
0x19: {  	s7 =	sld [smem:$0x3F99]  }
0x1a: {  	s8 =	sadd.s32 $0xFFFFE003, lr  }
0x1b: {  	s9 =	sadd.s32 $0xFFFFFEF7, lr;
	s5 =	simm.s32 $0xFFFFFFFF;
	p2 =	slt.u32 s8, $0xFFFFF086  }
0x1c: {  	p1 =	slt.u32 s9, $0xF7A;
	s5 =	simm.s32 @!p2 $0x0  }
0x1d: {  	s5 =	simm.s32 @p1 $0x1;
	p0 =	seq.s32 s7, s2  }
0x1e: {  	s7 =	smul.u32 @!p0 $0xF7A, s2;
	p2 =	seq.s32 @!p0 s5, $0x0  }
0x1f: {  	s9 =	smul.u32 $0xF7A, s1;
	s8 =	simm.s32 @!p0 $0x1BF5;
	p2 =	por !p2, p0  }
0x20: {  	[sflag:s8] =	ssyncset.s32 @!p0 $0xFFFFF086;
	s6 =	sadd.s32 @!p0 s3, s7;
	s7 =	simm.s32 @!p0 $0x108  }
0x21: {  	s3 =	sadd.s32 s3, s9;
	s6 =	sadd.s32 @!p0 $0x88, s6;
	s7 =	simm.s32 @p2 $0x1082  }
0x22: {  	[simem:s7], [sflag:s8] =	dma.local @!p0 [hbm:s6], $0xF7A  }
0x23: {  	s9 =	sor.u32 $0xD0000000, s2;
	s6 =	simm.s32 $0x108;
	_ =	swait.ge @!p0 [sflag:s8], $0x0  }
0x24: {  	s3 =	sadd.s32 $0x88, s3;
	s6 =	simm.s32 @!p1 $0x1082;
	[sflag:s4] =	ssyncset.s32 $0xFFFFF086  }
0x25: {  	[simem:s6], [sflag:s4] =	dma.local [hbm:s3], $0xF7A  }
0x26: {  	[smem:$0x3F99] =	sst s1;
	(tag) =	ssettag s2;
	_ =	strace s9  }
0x27: {  	s1 =	sld [smem:$0x3FA9]  }
0x28: {  	s2 =	sld [smem:$0x3FAA]  }
0x29: {  	s4 =	sld [smem:$0x3FAC]  }
0x2a: {  	p0 =	seq.s32 s5, $0x0;
	s5 =	sld [smem:$0x3FAD]  }
0x2b: {  	s6 =	sld [smem:$0x3FAE]  }
0x2c: {  	s7 =	sld [smem:$0x3FAF]  }
0x2d: {  	s3 =	simm.s32 $0x108;
	s8 =	sld [smem:$0x3FB0]  }
0x2e: {  	s3 =	simm.s32 @!p0 $0x1082;
	s9 =	sld [smem:$0x3FB1]  }
0x2f: {  	lr =	sadd.s32 s0, s3;
	s0 =	sld [smem:$0x3FA8]  }
0x30: {  	s3 =	sld [smem:$0x3FAB]  }
0x31: {  	[smem:$0x3FB4] =	sst s10  }
0x32: {  	s10 =	sld [smem:$0x3FB2];
	_ =	sdelay $0x3  }
0x33: {  	p0 =	seq.s32 s10, $0x1;
	s10 =	sld [smem:$0x3FB4];
	_ =	sdelay $0x3  }
0x34: {  	[smem:$0x3FB4] =	sst s10  }
0x35: {  	s10 =	sld [smem:$0x3FB3];
	_ =	sdelay $0x3  }
0x36: {  	p1 =	seq.s32 s10, $0x1;
	s10 =	sld [smem:$0x3FB4];
	_ =	sdelay $0x3  }
0x37: {  	[smem:$0x3FB4] =	sst s10  }
0x38: {  	s10 =	sld [smem:$0x3FB5]  }
0x39: {  	_ = 	snop;
	(pc) =	sbr.ind lr, $3  }
0x3a: {  	_ = 	snop  }
0x3b: {  	_ = 	snop  }
0x3c: {  	p2 =	seq.s32 s10, $0x1;
	s10 =	sld [smem:$0x3FB4]  }
0x3d: {  	_ =	shalt  }
0x3e: {  	_ =	shalt  }
0x3f: {  	_ =	shalt  }
0x40: {  	_ =	shalt  }
0x41: {  	_ =	shalt  }
0x42: {  	_ =	shalt  }
0x43: {  	_ =	shalt  }
0x44: {  	_ =	shalt  }
0x45: {  	_ =	shalt  }
0x46: {  	_ =	shalt  }
0x47: {  	_ =	shalt  }
0x48: {  	_ =	shalt  }
0x49: {  	_ =	shalt  }
0x4a: {  	_ =	shalt  }
0x4b: {  	_ =	shalt  }
0x4c: {  	_ =	shalt  }
0x4d: {  	_ =	shalt  }
0x4e: {  	_ =	shalt  }
0x4f: {  	_ =	shalt  }
0x50: {  	_ =	shalt  }
0x51: {  	_ =	shalt  }
0x52: {  	_ =	shalt  }
0x53: {  	_ =	shalt  }
0x54: {  	_ =	shalt  }
0x55: {  	_ =	shalt  }
0x56: {  	_ =	shalt  }
0x57: {  	_ =	shalt  }
0x58: {  	_ =	shalt  }
0x59: {  	_ =	shalt  }
0x5a: {  	_ =	shalt  }
0x5b: {  	_ =	shalt  }
0x5c: {  	_ =	shalt  }
0x5d: {  	_ =	shalt  }
0x5e: {  	_ =	shalt  }
0x5f: {  	_ =	shalt  }
0x60: {  	_ =	shalt  }
0x61: {  	_ =	shalt  }
0x62: {  	_ =	shalt  }
0x63: {  	_ =	shalt  }
0x64: {  	_ =	shalt  }
0x65: {  	_ =	shalt  }
0x66: {  	_ =	shalt  }
0x67: {  	_ =	shalt  }
0x68: {  	_ =	shalt  }
0x69: {  	_ =	shalt  }
0x6a: {  	_ =	shalt  }
0x6b: {  	_ =	shalt  }
0x6c: {  	_ =	shalt  }
0x6d: {  	_ =	shalt  }
0x6e: {  	_ =	shalt  }
0x6f: {  	_ =	shalt  }
0x70: {  	_ =	shalt  }
0x71: {  	_ =	shalt  }
0x72: {  	_ =	shalt  }
0x73: {  	_ =	shalt  }
0x74: {  	_ =	shalt  }
0x75: {  	_ =	shalt  }
0x76: {  	_ =	shalt  }
0x77: {  	_ =	shalt  }
0x78: {  	_ =	shalt  }
0x79: {  	_ =	shalt  }
0x7a: {  	_ =	shalt  }
0x7b: {  	_ =	shalt  }
0x7c: {  	_ =	shalt  }
0x7d: {  	_ =	shalt  }
0x7e: {  	_ =	shalt  }
0x7f: {  	_ =	shalt  }
0x80: {  	_ =	shalt  }
0x81: {  	_ =	shalt  }
0x82: {  	_ =	shalt  }
0x83: {  	_ =	shalt  }
0x84: {  	_ =	shalt  }
0x85: {  	_ =	shalt  }
0x86: {  	_ =	shalt  }
0x87: {  	_ =	shalt  }
.Lfunc_end0:
.L_simem_size_0:
called_computation.1_lowered:
.L_overlay_start_0:
0x88: {  	s2 =	sld [smem:$0x3FD9]  }
0x89: {  	s3 =	sld [smem:$0x3FFE];
	_ =	sdelay $0x1  }
0x8a: {  	s1 =	srdreg.scid  }
0x8b: {  	s0 =	sand.u32 $0x1, s1  }
0x8c: {  	s17 =	sshll.u32 s0, $0xA;
	s2 =	sadd.s32 s3, s2  }
0x8d: {  	s2 =	sadd.s32 s2, s17  }
0x8e: {  	[smem:$0x3FC0] =	sst s2  }
0x8f: {  	_ = 	snop  }
0x90: {  	s2 =	sld [smem:$0x3FD0];
	(tm) =	ssettm $0x1  }
0x91: {  	s18 =	sld [smem:$0x3FFB];
	_ =	sdelay $0x3  }
0x92: {  	_ =	strace s18  }
0x93: {  	s3 =	sld [smem:$0x3FFC];
	_ =	sdelay $0x3  }
0x94: {  	_ =	strace s3  }
0x95: {  	s3 =	sld [smem:$0x3FFD];
	_ =	sdelay $0x3  }
0x96: {  	_ =	strace s3  }
0x97: {  	_ =	strace $0x8FFFFFFF  }
0x98: {  	s19 =	sld [smem:$0x3FDB];
	_ =	sdelay $0x1  }
0x99: {  	s4 =	simm.s32 $_scs_section_size  }
0x9a: {  	s5 =	simm.s32 $_size__tile_overlayer_lowered;
	s6 =	simm.s32 $_tile_overlayer_lowered  }
0x9b: {  	s22 =	simm.s32 $0x1BFF;
	s21 =	sshll.u32 s6, $0x1;
	s3 =	sadd.s32 s4, s19  }
0x9c: {  	s7 =	simm.s32 $0x0;
	s20 =	sshll.u32 s5, $0x1;
	s5 =	sadd.s32 s21, s3  }
0x9d: {  	[timem:s7], [sflag:s22] =	dma.local [hbm:s5], s20  }
0x9e: {  	_ =	swait.ge [sflag:s22], s20  }
0x9f: {  	s4 =	ssub.s32 $0x0, s20;
	[sflag:s22] =	ssyncset.done $0x0  }
0xa0: {  	[sflag:s22] =	ssyncadd.s32 s4;
	_ =	sdelay $0x1  }
0xa1: {  	s23 =	simm.s32 $0x1B8B  }
0xa2: {  	_ =	swait.ge [sflag:s23], $0x1  }
0xa3: {  	[sflag:s23] =	ssyncset.done $0x0  }
0xa4: {  	s25 =	simm.s32 $0x1B8E;
	s24 =	sld [smem:$0x3FFE];
	[sflag:s23] =	ssyncadd.s32 $0xFFFFFFFF  }
0xa5: {  	s26 =	simm.s32 $execute0_lowered;
	[smem:$0x3FD2] =	sst s25  }
0xa6: {  	s5 =	sshll.u32 s26, $0x1;
	_ =	strace $0x8000004F;
	[dreg:$0x1] =	wrdreg $0xFFFFFFFF  }
0xa7: {  	s28 =	simm.s32 $_size_execute0_lowered;
	s3 =	sadd.s32 s3, s5;
	[dreg:$0x0] =	wrdreg $0x0  }
0xa8: {  	s5 =	sshll.u32 s28, $0x1;
	[dreg:$0x2] =	wrdreg s3  }
0xa9: {  	[dreg:$0x3] =	wrdreg s5  }
0xaa: {  	[dreg:$0x4] =	wrdreg $0xC0  }
0xab: {  	_ =	task [dreg:s7], $0x5FFFF  }
0xac: {  	[dreg:$0x1] =	wrdreg $0xFFFFFFFF  }
0xad: {  	[dreg:$0x0] =	wrdreg $0x60  }
0xae: {  	[dreg:$0x2] =	wrdreg s2  }
0xaf: {  	[dreg:$0x3] =	wrdreg s24  }
0xb0: {  	[dreg:$0x4] =	wrdreg $0x102000  }
0xb1: {  	[dreg:$0x5] =	wrdreg $0x9  }
0xb2: {  	_ =	task.clear_ibuf [dreg:s7], $0x6FFFF;
	_ =	strace $0x9000004F  }
0xb3: {  	s29 =	simm.s32 $0x9;
	_ =	strace $0x80000057  }
0xb4: {  	_ =	swait.ge [sflag:s29], $0x1  }
0xb5: {  	[sflag:s29] =	ssyncadd.s32 $0xFFFFFFFF  }
0xb6: {  	_ =	strace $0x90000057  }
0xb7: {  	_ =	sfence  }
0xb8: {  	s30 =	sld [smem:$0x0];
	_ =	sdelay $0x2  }
0xb9: {  	s31 =	sshll.u32 s1, $0xD;
	s1 =	sshrl.u32 s1, $0x2  }
0xba: {  	s3 =	sand.u32 $0x4000, s31;
	s1 =	sadd.s32 s1, s30  }
0xbb: {  	s0 =	sor.u32 s3, s0;
	s1 =	sshll.u32 s1, $0x11  }
0xbc: {  	s0 =	sor.u32 s1, s0  }
0xbd: {  	s0 =	sadd.s32 $0x8F2B, s0  }
0xbe: {  	[sflag:s0] =	ssyncadd.remote.s32 $0x1  }
0xbf: {  	_ =	sfence.sel $0xFFFF  }
0xc0: {  	[dreg:$0x0] =	wrdreg $0xFFFFFFFF;
	(pc) =	sbr.abs _section_cstart, $3  }
0xc1: {  	[dreg:$0x1] =	wrdreg $0xFFFFFFFF  }
0xc2: {  	_ =	task.clear_ibuf [dreg:s7], $0x2FFFF;
	_ =	strace $0x9FFFFFFF  }
0xc3: {  	(tm) =	ssettm $0x7FFFFFFF  }
tec
execute0_lowered:
.L_overlay_start_1:
0x0: {  	(tag) =	ssettag $0x1  }
0x1: {  	s1 =	rddreg [dreg:$0x0]  }
0x2: {  	s0 =	srdreg.scid;
	s5 =	rddreg [dreg:$0x1]  }
0x3: {  	s3 =	rddreg [dreg:$0x2];
	s4 =	simm.s32 $0x0;
	s23 =	simm.s32 $0x400  }
0x4: {  	s24 =	simm.s32 $0x7000;
	s8 =	sand.u32 $0x1, s0;
	s0 =	stileid.u32  }
0x5: {  	s25 =	simm.s32 $0x1;
	s28 =	simm.s32 $0x0;
	s9 =	smul.u32 $0x14000, s0  }
0x6: {  	[smem:$0x7FF] =	sst s4;
	s19 =	sadd.s32 $0x1D200, s5;
	s17 =	smul.u32 $0xA000, s0  }
0x7: {  	s2 =	sshll.u32 s8, $0x4;
	s7 =	ssub.s32 $0x2, s8;
	s18 =	smul.u32 $0xA0000, s8  }
0x8: {  	p0 =	seq.s32 s8, $0x0;
	s8 =	simm.s32 $0xE;
	s6 =	sor.u32 s0, s2  }
0x9: {  	s2 =	rddreg [dreg:$0x3];
	_ =	strace $0x80000050;
	s26 =	sshrl.u32 s7, $0x1  }
0xa: {  	s8 =	simm.s32 @!p0 $0x6;
	s6 =	smul.u32 $0x700, s6;
	s10 =	ssub.s32 s7, s26  }
0xb: {  	s29 =	sshrl.u32 s9, $0x2;
	s30 =	sshrl.u32 s17, $0x1;
	s11 =	sadd.s32 s18, s17  }
0xc: {  	s12 =	sadd.s32 $0x2000, s17;
	s14 =	sadd.s32 $0x4000, s17;
	s20 =	sadd.s32 $0x6000, s17  }
0xd: {  	s17 =	sadd.s32 $0x8000, s17;
	s26 =	simm.s32 $0xF000;
	s7 =	sadd.s32 s29, s3  }
0xe: {  	s9 =	sadd.s32 s30, s3;
	s11 =	sshrl.u32 s11, $0x4;
	s10 =	smax.u32 s10, $0x1  }
0xf: {  	s13 =	sadd.s32 s18, s12;
	s12 =	sshrl.u32 s12, $0x1;
	s15 =	sadd.s32 s18, s14  }
0x10: {  	s14 =	sshrl.u32 s14, $0x1;
	s16 =	sshrl.u32 s20, $0x1;
	s20 =	sadd.s32 s18, s20  }
0x11: {  	s21 =	sshrl.u32 s17, $0x1;
	s22 =	sadd.s32 s18, s17;
	s6 =	sadd.s32 s6, s5  }
0x12: {  	s11 =	sadd.s32 s19, s11;
	s13 =	sshrl.u32 s13, $0x4;
	s12 =	sadd.s32 s12, s3  }
0x13: {  	s15 =	sshrl.u32 s15, $0x4;
	s14 =	sadd.s32 s14, s3;
	s16 =	sadd.s32 s16, s3  }
0x14: {  	s20 =	sshrl.u32 s20, $0x4;
	s18 =	sadd.s32 s21, s3;
	s31 =	sshrl.u32 s22, $0x4  }
0x15: {  	s21 =	simm.s32 $0x3800;
	s22 =	simm.s32 $0x10000;
	s5 =	sadd.s32 $0xF200, s6  }
0x16: {  	s6 =	sadd.s32 $0x1200, s6;
	s13 =	sadd.s32 s19, s13;
	s15 =	sadd.s32 s19, s15  }
0x17: {  	v0 =	vimm.bf16 $0.0e+00;
	s17 =	sadd.s32 s19, s20;
	s19 =	sadd.s32 s19, s31;
	s20 =	simm.s32 $0x2  }
.LBB2_1:
0x18: {  	[tilespmem:s4], [sflag:$0x2] =	stream.linear.gather [hbm4b:s5+s4], $0x3800, $0x38;
	[tilespmem:$0x15200] =	vst v63  }
0x19: {  	_ =	swait.ge [sflag:s20], $0x3800  }
0x1a: {  	[sflag:s20] =	ssyncset.done $0x0  }
0x1b: {  	[sflag:s20] =	ssyncadd.s32 $0xFFFFC800  }
0x1c: {  	[tilespmem:s21], [sflag:$0x2] =	stream.linear.gather [hbm4b:s6+s4], $0x3800, $0x38;
	[tilespmem:$0x15200] =	vst v63  }
0x1d: {  	_ =	swait.ge [sflag:s20], $0x3800  }
0x1e: {  	[sflag:s20] =	ssyncset.done $0x0  }
0x1f: {  	[sflag:s20] =	ssyncadd.s32 $0xFFFFC800  }
0x20: {  	[tilespmem:$0x10000] =	vst v0  }
0x21: {  	[tilespmem:$0x10010] =	vst v0  }
0x22: {  	[tilespmem:$0x10020] =	vst v0  }
0x23: {  	[tilespmem:$0x10030] =	vst v0  }
0x24: {  	[tilespmem:$0x10040] =	vst v0  }
0x25: {  	[tilespmem:$0x10050] =	vst v0  }
0x26: {  	[tilespmem:$0x10060] =	vst v0  }
0x27: {  	[tilespmem:$0x10070] =	vst v0  }
0x28: {  	[tilespmem:$0x10080] =	vst v0  }
0x29: {  	[tilespmem:$0x10090] =	vst v0  }
0x2a: {  	[tilespmem:$0x100A0] =	vst v0  }
0x2b: {  	[tilespmem:$0x100B0] =	vst v0  }
0x2c: {  	[tilespmem:$0x100C0] =	vst v0  }
0x2d: {  	[tilespmem:$0x100D0] =	vst v0  }
0x2e: {  	[tilespmem:$0x100E0] =	vst v0  }
0x2f: {  	[tilespmem:$0x100F0] =	vst v0  }
0x30: {  	[tilespmem:$0x10100] =	vst v0  }
0x31: {  	[tilespmem:$0x10110] =	vst v0  }
0x32: {  	[tilespmem:$0x10120] =	vst v0  }
0x33: {  	[tilespmem:$0x10130] =	vst v0  }
0x34: {  	[tilespmem:$0x10140] =	vst v0  }
0x35: {  	[tilespmem:$0x10150] =	vst v0  }
0x36: {  	[tilespmem:$0x10160] =	vst v0  }
0x37: {  	[tilespmem:$0x10170] =	vst v0  }
0x38: {  	[tilespmem:$0x10180] =	vst v0  }
0x39: {  	[tilespmem:$0x10190] =	vst v0  }
0x3a: {  	[tilespmem:$0x101A0] =	vst v0  }
0x3b: {  	[tilespmem:$0x101B0] =	vst v0  }
0x3c: {  	[tilespmem:$0x101C0] =	vst v0  }
0x3d: {  	[tilespmem:$0x101D0] =	vst v0  }
0x3e: {  	[tilespmem:$0x101E0] =	vst v0  }
0x3f: {  	[tilespmem:$0x101F0] =	vst v0  }
0x40: {  	s29 =	sadd.s32 $0x0, s7;
	_ =	strace $0x80000051  }
0x41: {  	[spmem:s29] =	stream.linear.scatter [tilespmem:s22], [sflag:$0x2], $0x200, $0x200038;
	[tilespmem:$0x15200] =	vst v63  }
0x42: {  	s29 =	simm.s32 $0x800;
	_ =	swait.ge [sflag:s20], $0x200  }
.LBB2_2:
0x43: {  	s30 =	sshra.s32 s29, $0x2;
	[sflag:s20] =	ssyncset.done $0x0;
	p0 =	sne.s32 s29, $0x13800  }
.Ltmp0:
0x44: {  	s30 =	sadd.s32 s30, s7;
	[sflag:s20] =	ssyncadd.s32 $0xFFFFFE00;
	(pc) =	sbr.rel @p0 .LBB2_2-.Ltmp0, $3  }
0x45: {  	[spmem:s30] =	stream.linear.scatter [tilespmem:s22], [sflag:$0x2], $0x200, $0x200038;
	[tilespmem:$0x15200] =	vst v63  }
0x46: {  	s29 =	sadd.s32 $0x800, s29;
	_ =	sdelay $0x1  }
0x47: {  	_ =	swait.ge [sflag:s20], $0x200  }
0x48: {  	[sflag:s20] =	ssyncset.done $0x0  }
0x49: {  	[sflag:s20] =	ssyncadd.s32 $0xFFFFFE00  }
0x4a: {  	[bflag:$0x0] =	sbarrier.arrive $0xFFFF  }
0x4b: {  	_ =	strace $0x90000051  }
0x4c: {  	_ =	strace $0x80000052  }
0x4d: {  	s29 =	simm.s32 $0x0;
	_ =	strace $0x80000053  }
0x4e: {  	[tilespmem:s24], [sflag:$0x1] =	stream.indirect.gather [hbm4b:s1+s23], $0x20, s29, s23, $0x2000b8;
	[tilespmem:$0x15200] =	vst v63  }
0x4f: {  	_ =	swait.ge [sflag:s25], $0x8000  }
0x50: {  	[sflag:s25] =	ssyncset.done $0x0  }
0x51: {  	[sflag:s25] =	ssyncadd.s32 $0xFFFF8000  }
0x52: {  	p0 =	sne.s32 s8, $0x1;
	_ =	strace $0x90000053  }
.Ltmp1:
0x53: {  	s30 =	simm.s32 $0x3800;
	_ =	strace $0x80000054;
	(pc) =	sbr.rel @!p0 .LBB2_5-.Ltmp1, $4  }
0x54: {  	[spmem:s3] =	stream.indirect.scatter.add.bf16 [tilespmem:s24], [sflag:$0x2], $0x20, s30, s23, $0x2000b8;
	[tilespmem:$0x15200] =	vst v63  }
0x55: {  	_ =	swait.ge [sflag:s20], $0x8000  }
0x56: {  	[sflag:s20] =	ssyncset.done $0x0  }
0x57: {  	s31 =	sadd.s32 $0xFFFFFFFF, s8;
	[sflag:s20] =	ssyncadd.s32 $0xFFFF8000  }
.LBB2_4:
0x58: {  	_ =	strace $0x90000054;
	s29 =	sadd.s32 $0x400, s29;
	s30 =	sadd.s32 $0x400, s30  }
0x59: {  	p0 =	sne.s32 s31, $0x1;
	s31 =	sadd.s32 $0xFFFFFFFF, s31;
	_ =	strace $0x80000053  }
0x5a: {  	[tilespmem:s24], [sflag:$0x1] =	stream.indirect.gather [hbm4b:s1+s23], $0x20, s29, s23, $0x2000b8;
	[tilespmem:$0x15200] =	vst v63  }
0x5b: {  	_ =	swait.ge [sflag:s25], $0x8000  }
0x5c: {  	[sflag:s25] =	ssyncset.done $0x0  }
0x5d: {  	[sflag:s25] =	ssyncadd.s32 $0xFFFF8000  }
0x5e: {  	_ =	strace $0x90000053  }
.Ltmp2:
0x5f: {  	_ =	strace $0x80000054;
	(pc) =	sbr.rel @p0 .LBB2_4-.Ltmp2, $4  }
0x60: {  	[spmem:s3] =	stream.indirect.scatter.add.bf16 [tilespmem:s24], [sflag:$0x2], $0x20, s30, s23, $0x2000b8;
	[tilespmem:$0x15200] =	vst v63  }
0x61: {  	_ =	swait.ge [sflag:s20], $0x8000  }
0x62: {  	[sflag:s20] =	ssyncset.done $0x0  }
0x63: {  	[sflag:s20] =	ssyncadd.s32 $0xFFFF8000  }
.LBB2_5:
0x64: {  	_ =	strace $0x90000054  }
0x65: {  	_ =	strace $0x90000052  }
0x66: {  	_ =	strace $0x80000055  }
0x67: {  	[bflag:$0x0] =	sbarrier.arrive $0xFFFF  }
0x68: {  	_ =	strace $0x90000055  }
0x69: {  	_ =	strace $0x80000056  }
0x6a: {  	[tilespmem:s26], [sflag:$0x2] =	stream.linear.gather [spmem:s9], $0x1000, $0x200038;
	[tilespmem:$0x15200] =	vst v63  }
0x6b: {  	_ =	swait.ge [sflag:s20], $0x1000  }
0x6c: {  	[sflag:s20] =	ssyncset.done $0x0  }
0x6d: {  	[sflag:s20] =	ssyncadd.s32 $0xFFFFF000  }
0x6e: {  	[hbm4b:s11+s4] =	stream.linear.scatter [tilespmem:s26], [sflag:$0x2], $0x1000, $0x200038;
	[tilespmem:$0x15200] =	vst v63  }
0x6f: {  	_ =	swait.ge [sflag:s20], $0x1000  }
0x70: {  	[sflag:s20] =	ssyncset.done $0x0  }
0x71: {  	[sflag:s20] =	ssyncadd.s32 $0xFFFFF000  }
0x72: {  	[tilespmem:s26], [sflag:$0x2] =	stream.linear.gather [spmem:s12], $0x1000, $0x200038;
	[tilespmem:$0x15200] =	vst v63  }
0x73: {  	_ =	swait.ge [sflag:s20], $0x1000  }
0x74: {  	[sflag:s20] =	ssyncset.done $0x0  }
0x75: {  	[sflag:s20] =	ssyncadd.s32 $0xFFFFF000  }
0x76: {  	[hbm4b:s13+s4] =	stream.linear.scatter [tilespmem:s26], [sflag:$0x2], $0x1000, $0x200038;
	[tilespmem:$0x15200] =	vst v63  }
0x77: {  	_ =	swait.ge [sflag:s20], $0x1000  }
0x78: {  	[sflag:s20] =	ssyncset.done $0x0  }
0x79: {  	[sflag:s20] =	ssyncadd.s32 $0xFFFFF000  }
0x7a: {  	[tilespmem:s26], [sflag:$0x2] =	stream.linear.gather [spmem:s14], $0x1000, $0x200038;
	[tilespmem:$0x15200] =	vst v63  }
0x7b: {  	_ =	swait.ge [sflag:s20], $0x1000  }
0x7c: {  	[sflag:s20] =	ssyncset.done $0x0  }
0x7d: {  	[sflag:s20] =	ssyncadd.s32 $0xFFFFF000  }
0x7e: {  	[hbm4b:s15+s4] =	stream.linear.scatter [tilespmem:s26], [sflag:$0x2], $0x1000, $0x200038;
	[tilespmem:$0x15200] =	vst v63  }
0x7f: {  	_ =	swait.ge [sflag:s20], $0x1000  }
0x80: {  	[sflag:s20] =	ssyncset.done $0x0  }
0x81: {  	[sflag:s20] =	ssyncadd.s32 $0xFFFFF000  }
0x82: {  	[tilespmem:s26], [sflag:$0x2] =	stream.linear.gather [spmem:s16], $0x1000, $0x200038;
	[tilespmem:$0x15200] =	vst v63  }
0x83: {  	_ =	swait.ge [sflag:s20], $0x1000  }
0x84: {  	[sflag:s20] =	ssyncset.done $0x0  }
0x85: {  	[sflag:s20] =	ssyncadd.s32 $0xFFFFF000  }
0x86: {  	[hbm4b:s17+s4] =	stream.linear.scatter [tilespmem:s26], [sflag:$0x2], $0x1000, $0x200038;
	[tilespmem:$0x15200] =	vst v63  }
0x87: {  	_ =	swait.ge [sflag:s20], $0x1000  }
0x88: {  	[sflag:s20] =	ssyncset.done $0x0  }
0x89: {  	[sflag:s20] =	ssyncadd.s32 $0xFFFFF000  }
0x8a: {  	[tilespmem:s26], [sflag:$0x2] =	stream.linear.gather [spmem:s18], $0x1000, $0x200038;
	[tilespmem:$0x15200] =	vst v63  }
0x8b: {  	_ =	swait.ge [sflag:s20], $0x1000  }
0x8c: {  	s28 =	sadd.s32 $0x1, s28;
	[sflag:s20] =	ssyncset.done $0x0  }
0x8d: {  	p0 =	sne.s32 s28, s10;
	[sflag:s20] =	ssyncadd.s32 $0xFFFFF000  }
0x8e: {  	[hbm4b:s19+s4] =	stream.linear.scatter [tilespmem:s26], [sflag:$0x2], $0x1000, $0x200038;
	[tilespmem:$0x15200] =	vst v63  }
.Ltmp3:
0x8f: {  	_ = 	snop;
	(pc) =	sbr.rel @p0 .LBB2_1-.Ltmp3, $4  }
0x90: {  	_ =	swait.ge [sflag:s20], $0x1000  }
0x91: {  	[sflag:s20] =	ssyncset.done $0x0  }
0x92: {  	[sflag:s20] =	ssyncadd.s32 $0xFFFFF000  }
0x93: {  	_ =	strace $0x90000056  }
0x94: {  	_ =	sfence.sel $0x180000  }
0x95: {  	[bflag:$0x0] =	sbarrier.arrive $0xFFFF  }
0x96: {  	p0 =	sne.s32 s0, $0x0;
	_ =	strace $0x90000050  }
0x97: {  	s0 =	sadd.s32 @!p0 $0x100000, s2;
	[bflag:$0x2] =	sbarrier.arrive $0xFFFF  }
0x98: {  	[sflag:s0] =	ssyncadd.tile.s32 @!p0 $0x1;
	_ =	shalt  }
.Lfunc_end2:
_tile_overlayer_lowered:
.L_overlay_start_2:
0x99: {  	(tag) =	ssettag $0x2  }
0x9a: {  	s0 =	rddreg [dreg:$0x0];
	s2 =	stileid.u32  }
0x9b: {  	s1 =	rddreg [dreg:$0x1];
	p0 =	sne.s32 s2, $0x0  }
0x9c: {  	s3 =	rddreg [dreg:$0x2];
	[bflag:$0x3] =	sbarrier.arrive $0xFFFF;
	s2 =	simm.s32 @!p0 $0x1C02  }
0x9d: {  	[timem:s3], [sflag:s2] =	dma.local @!p0 [hbm:s0], s1  }
0x9e: {  	s0 =	simm.s32 @!p0 $0x2  }
0x9f: {  	_ =	swait.ge @!p0 [sflag:s0], s1  }
0xa0: {  	s1 =	ssub.s32 @!p0 $0x0, s1;
	[sflag:s0] =	ssyncset.done @!p0 $0x0  }
0xa1: {  	[sflag:s0] =	ssyncadd.s32 @!p0 s1  }
0xa2: {  	[bflag:$0x3] =	sbarrier.arrive $0xFFFF  }
0xa3: {  	_ =	shalt  }

// kernel: kernel.7.cloned.1.call-start
scs
__scs_entry_jumppad:
0x0: {  	(pc) =	sbr.rel $0x88, $3  }
0x1: {  	(tag) =	ssettag $0x0;
	lr =	simm.s32 $0x1  }
0x2: {  	[smem:$0x3F99] =	sst lr;
	_ =	strace $0xD0000000  }
0x3: {  	_ = 	snop  }
0x4: {  	_ = 	snop  }
0x5: {  	_ = 	snop  }
0x6: {  	_ = 	snop  }
0x7: {  	_ = 	snop  }
__scs_overlays_trampoline_lowered:
0x8: {  	[smem:$0x3FA8] =	sst s0  }
0x9: {  	[smem:$0x3FA9] =	sst s1  }
0xa: {  	[smem:$0x3FAA] =	sst s2  }
0xb: {  	[smem:$0x3FAB] =	sst s3  }
0xc: {  	[smem:$0x3FAC] =	sst s4  }
0xd: {  	[smem:$0x3FAD] =	sst s5  }
0xe: {  	[smem:$0x3FAE] =	sst s6  }
0xf: {  	[smem:$0x3FAF] =	sst s7  }
0x10: {  	[smem:$0x3FB0] =	sst s8  }
0x11: {  	[smem:$0x3FB1] =	sst s9;
	s0 =	simm.s32 @!p0 $0x0  }
0x12: {  	s1 =	sld [smem:$0x3F97];
	s0 =	simm.s32 @p0 $0x1  }
0x13: {  	[smem:$0x3FB2] =	sst s0;
	s0 =	simm.s32 @!p1 $0x0  }
0x14: {  	s2 =	sld [smem:$0x3F96];
	s0 =	simm.s32 @p1 $0x1  }
0x15: {  	[smem:$0x3FB3] =	sst s0;
	s0 =	simm.s32 @!p2 $0x0  }
0x16: {  	s3 =	sld [smem:$0x3FDB];
	s0 =	simm.s32 @p2 $0x1  }
0x17: {  	s4 =	simm.s32 $0x1BF5;
	[smem:$0x3FB5] =	sst s0  }
0x18: {  	s0 =	sld [smem:$0x3F98];
	_ =	swait.ge [sflag:s4], $0x0  }
0x19: {  	s7 =	sld [smem:$0x3F99]  }
0x1a: {  	s8 =	sadd.s32 $0xFFFFE003, lr  }
0x1b: {  	s9 =	sadd.s32 $0xFFFFFEF7, lr;
	s5 =	simm.s32 $0xFFFFFFFF;
	p2 =	slt.u32 s8, $0xFFFFF086  }
0x1c: {  	p1 =	slt.u32 s9, $0xF7A;
	s5 =	simm.s32 @!p2 $0x0  }
0x1d: {  	s5 =	simm.s32 @p1 $0x1;
	p0 =	seq.s32 s7, s2  }
0x1e: {  	s7 =	smul.u32 @!p0 $0xF7A, s2;
	p2 =	seq.s32 @!p0 s5, $0x0  }
0x1f: {  	s9 =	smul.u32 $0xF7A, s1;
	s8 =	simm.s32 @!p0 $0x1BF5;
	p2 =	por !p2, p0  }
0x20: {  	[sflag:s8] =	ssyncset.s32 @!p0 $0xFFFFF086;
	s6 =	sadd.s32 @!p0 s3, s7;
	s7 =	simm.s32 @!p0 $0x108  }
0x21: {  	s3 =	sadd.s32 s3, s9;
	s6 =	sadd.s32 @!p0 $0x88, s6;
	s7 =	simm.s32 @p2 $0x1082  }
0x22: {  	[simem:s7], [sflag:s8] =	dma.local @!p0 [hbm:s6], $0xF7A  }
0x23: {  	s9 =	sor.u32 $0xD0000000, s2;
	s6 =	simm.s32 $0x108;
	_ =	swait.ge @!p0 [sflag:s8], $0x0  }
0x24: {  	s3 =	sadd.s32 $0x88, s3;
	s6 =	simm.s32 @!p1 $0x1082;
	[sflag:s4] =	ssyncset.s32 $0xFFFFF086  }
0x25: {  	[simem:s6], [sflag:s4] =	dma.local [hbm:s3], $0xF7A  }
0x26: {  	[smem:$0x3F99] =	sst s1;
	(tag) =	ssettag s2;
	_ =	strace s9  }
0x27: {  	s1 =	sld [smem:$0x3FA9]  }
0x28: {  	s2 =	sld [smem:$0x3FAA]  }
0x29: {  	s4 =	sld [smem:$0x3FAC]  }
0x2a: {  	p0 =	seq.s32 s5, $0x0;
	s5 =	sld [smem:$0x3FAD]  }
0x2b: {  	s6 =	sld [smem:$0x3FAE]  }
0x2c: {  	s7 =	sld [smem:$0x3FAF]  }
0x2d: {  	s3 =	simm.s32 $0x108;
	s8 =	sld [smem:$0x3FB0]  }
0x2e: {  	s3 =	simm.s32 @!p0 $0x1082;
	s9 =	sld [smem:$0x3FB1]  }
0x2f: {  	lr =	sadd.s32 s0, s3;
	s0 =	sld [smem:$0x3FA8]  }
0x30: {  	s3 =	sld [smem:$0x3FAB]  }
0x31: {  	[smem:$0x3FB4] =	sst s10  }
0x32: {  	s10 =	sld [smem:$0x3FB2];
	_ =	sdelay $0x3  }
0x33: {  	p0 =	seq.s32 s10, $0x1;
	s10 =	sld [smem:$0x3FB4];
	_ =	sdelay $0x3  }
0x34: {  	[smem:$0x3FB4] =	sst s10  }
0x35: {  	s10 =	sld [smem:$0x3FB3];
	_ =	sdelay $0x3  }
0x36: {  	p1 =	seq.s32 s10, $0x1;
	s10 =	sld [smem:$0x3FB4];
	_ =	sdelay $0x3  }
0x37: {  	[smem:$0x3FB4] =	sst s10  }
0x38: {  	s10 =	sld [smem:$0x3FB5]  }
0x39: {  	_ = 	snop;
	(pc) =	sbr.ind lr, $3  }
0x3a: {  	_ = 	snop  }
0x3b: {  	_ = 	snop  }
0x3c: {  	p2 =	seq.s32 s10, $0x1;
	s10 =	sld [smem:$0x3FB4]  }
0x3d: {  	_ =	shalt  }
0x3e: {  	_ =	shalt  }
0x3f: {  	_ =	shalt  }
0x40: {  	_ =	shalt  }
0x41: {  	_ =	shalt  }
0x42: {  	_ =	shalt  }
0x43: {  	_ =	shalt  }
0x44: {  	_ =	shalt  }
0x45: {  	_ =	shalt  }
0x46: {  	_ =	shalt  }
0x47: {  	_ =	shalt  }
0x48: {  	_ =	shalt  }
0x49: {  	_ =	shalt  }
0x4a: {  	_ =	shalt  }
0x4b: {  	_ =	shalt  }
0x4c: {  	_ =	shalt  }
0x4d: {  	_ =	shalt  }
0x4e: {  	_ =	shalt  }
0x4f: {  	_ =	shalt  }
0x50: {  	_ =	shalt  }
0x51: {  	_ =	shalt  }
0x52: {  	_ =	shalt  }
0x53: {  	_ =	shalt  }
0x54: {  	_ =	shalt  }
0x55: {  	_ =	shalt  }
0x56: {  	_ =	shalt  }
0x57: {  	_ =	shalt  }
0x58: {  	_ =	shalt  }
0x59: {  	_ =	shalt  }
0x5a: {  	_ =	shalt  }
0x5b: {  	_ =	shalt  }
0x5c: {  	_ =	shalt  }
0x5d: {  	_ =	shalt  }
0x5e: {  	_ =	shalt  }
0x5f: {  	_ =	shalt  }
0x60: {  	_ =	shalt  }
0x61: {  	_ =	shalt  }
0x62: {  	_ =	shalt  }
0x63: {  	_ =	shalt  }
0x64: {  	_ =	shalt  }
0x65: {  	_ =	shalt  }
0x66: {  	_ =	shalt  }
0x67: {  	_ =	shalt  }
0x68: {  	_ =	shalt  }
0x69: {  	_ =	shalt  }
0x6a: {  	_ =	shalt  }
0x6b: {  	_ =	shalt  }
0x6c: {  	_ =	shalt  }
0x6d: {  	_ =	shalt  }
0x6e: {  	_ =	shalt  }
0x6f: {  	_ =	shalt  }
0x70: {  	_ =	shalt  }
0x71: {  	_ =	shalt  }
0x72: {  	_ =	shalt  }
0x73: {  	_ =	shalt  }
0x74: {  	_ =	shalt  }
0x75: {  	_ =	shalt  }
0x76: {  	_ =	shalt  }
0x77: {  	_ =	shalt  }
0x78: {  	_ =	shalt  }
0x79: {  	_ =	shalt  }
0x7a: {  	_ =	shalt  }
0x7b: {  	_ =	shalt  }
0x7c: {  	_ =	shalt  }
0x7d: {  	_ =	shalt  }
0x7e: {  	_ =	shalt  }
0x7f: {  	_ =	shalt  }
0x80: {  	_ =	shalt  }
0x81: {  	_ =	shalt  }
0x82: {  	_ =	shalt  }
0x83: {  	_ =	shalt  }
0x84: {  	_ =	shalt  }
0x85: {  	_ =	shalt  }
0x86: {  	_ =	shalt  }
0x87: {  	_ =	shalt  }
.Lfunc_end0:
.L_simem_size_0:
called_computation_lowered:
.L_overlay_start_0:
0x88: {  	s2 =	sld [smem:$0x3FD9]  }
0x89: {  	s3 =	sld [smem:$0x3FFE];
	_ =	sdelay $0x1  }
0x8a: {  	s1 =	srdreg.scid  }
0x8b: {  	s0 =	sand.u32 $0x1, s1  }
0x8c: {  	s17 =	sshll.u32 s0, $0xA;
	s2 =	sadd.s32 s3, s2  }
0x8d: {  	s2 =	sadd.s32 s2, s17  }
0x8e: {  	[smem:$0x3FC0] =	sst s2  }
0x8f: {  	_ = 	snop  }
0x90: {  	s2 =	sld [smem:$0x3FD0];
	(tm) =	ssettm $0x1  }
0x91: {  	s18 =	sld [smem:$0x3FFB];
	_ =	sdelay $0x3  }
0x92: {  	_ =	strace s18  }
0x93: {  	s3 =	sld [smem:$0x3FFC];
	_ =	sdelay $0x3  }
0x94: {  	_ =	strace s3  }
0x95: {  	s3 =	sld [smem:$0x3FFD];
	_ =	sdelay $0x3  }
0x96: {  	_ =	strace s3  }
0x97: {  	_ =	strace $0x8FFFFFFF  }
0x98: {  	s19 =	sld [smem:$0x3FDB];
	_ =	sdelay $0x1  }
0x99: {  	s4 =	simm.s32 $_scs_section_size  }
0x9a: {  	s5 =	simm.s32 $_size__tile_overlayer_lowered;
	s6 =	simm.s32 $_tile_overlayer_lowered  }
0x9b: {  	s22 =	simm.s32 $0x1BFF;
	s21 =	sshll.u32 s6, $0x1;
	s3 =	sadd.s32 s4, s19  }
0x9c: {  	s7 =	simm.s32 $0x0;
	s20 =	sshll.u32 s5, $0x1;
	s5 =	sadd.s32 s21, s3  }
0x9d: {  	[timem:s7], [sflag:s22] =	dma.local [hbm:s5], s20  }
0x9e: {  	_ =	swait.ge [sflag:s22], s20  }
0x9f: {  	s4 =	ssub.s32 $0x0, s20;
	[sflag:s22] =	ssyncset.done $0x0  }
0xa0: {  	[sflag:s22] =	ssyncadd.s32 s4;
	_ =	sdelay $0x1  }
0xa1: {  	s23 =	simm.s32 $0x1B8B  }
0xa2: {  	_ =	swait.ge [sflag:s23], $0x1  }
0xa3: {  	[sflag:s23] =	ssyncset.done $0x0  }
0xa4: {  	s25 =	simm.s32 $0x1B8E;
	s24 =	sld [smem:$0x3FFE];
	[sflag:s23] =	ssyncadd.s32 $0xFFFFFFFF  }
0xa5: {  	s26 =	simm.s32 $execute0_lowered;
	[smem:$0x3FD2] =	sst s25  }
0xa6: {  	s5 =	sshll.u32 s26, $0x1;
	_ =	strace $0x80000046;
	[dreg:$0x1] =	wrdreg $0xFFFFFFFF  }
0xa7: {  	s28 =	simm.s32 $_size_execute0_lowered;
	s3 =	sadd.s32 s3, s5;
	[dreg:$0x0] =	wrdreg $0x0  }
0xa8: {  	s5 =	sshll.u32 s28, $0x1;
	[dreg:$0x2] =	wrdreg s3  }
0xa9: {  	[dreg:$0x3] =	wrdreg s5  }
0xaa: {  	[dreg:$0x4] =	wrdreg $0xC0  }
0xab: {  	_ =	task [dreg:s7], $0x5FFFF  }
0xac: {  	[dreg:$0x1] =	wrdreg $0xFFFFFFFF  }
0xad: {  	[dreg:$0x0] =	wrdreg $0x60  }
0xae: {  	[dreg:$0x2] =	wrdreg s2  }
0xaf: {  	[dreg:$0x3] =	wrdreg s24  }
0xb0: {  	[dreg:$0x4] =	wrdreg $0x14B000  }
0xb1: {  	[dreg:$0x5] =	wrdreg $0x9  }
0xb2: {  	_ =	task.clear_ibuf [dreg:s7], $0x6FFFF;
	_ =	strace $0x90000046  }
0xb3: {  	s29 =	simm.s32 $0x9;
	_ =	strace $0x8000004E  }
0xb4: {  	_ =	swait.ge [sflag:s29], $0x1  }
0xb5: {  	[sflag:s29] =	ssyncadd.s32 $0xFFFFFFFF  }
0xb6: {  	_ =	strace $0x9000004E  }
0xb7: {  	_ =	sfence  }
0xb8: {  	s30 =	sld [smem:$0x0];
	_ =	sdelay $0x2  }
0xb9: {  	s31 =	sshll.u32 s1, $0xD;
	s1 =	sshrl.u32 s1, $0x2  }
0xba: {  	s3 =	sand.u32 $0x4000, s31;
	s1 =	sadd.s32 s1, s30  }
0xbb: {  	s0 =	sor.u32 s3, s0;
	s1 =	sshll.u32 s1, $0x11  }
0xbc: {  	s0 =	sor.u32 s1, s0  }
0xbd: {  	s0 =	sadd.s32 $0x8F2B, s0  }
0xbe: {  	[sflag:s0] =	ssyncadd.remote.s32 $0x1  }
0xbf: {  	_ =	sfence.sel $0xFFFF  }
0xc0: {  	[dreg:$0x0] =	wrdreg $0xFFFFFFFF;
	(pc) =	sbr.abs _section_cstart, $3  }
0xc1: {  	[dreg:$0x1] =	wrdreg $0xFFFFFFFF  }
0xc2: {  	_ =	task.clear_ibuf [dreg:s7], $0x2FFFF;
	_ =	strace $0x9FFFFFFF  }
0xc3: {  	(tm) =	ssettm $0x7FFFFFFF  }
tec
execute0_lowered:
.L_overlay_start_1:
0x0: {  	(tag) =	ssettag $0x1  }
0x1: {  	s1 =	rddreg [dreg:$0x0]  }
0x2: {  	s0 =	srdreg.scid;
	s5 =	rddreg [dreg:$0x1]  }
0x3: {  	s3 =	rddreg [dreg:$0x2];
	s4 =	simm.s32 $0x0;
	s22 =	simm.s32 $0x14800  }
0x4: {  	s23 =	simm.s32 $0x400;
	s24 =	simm.s32 $0x7000;
	s25 =	simm.s32 $0x1  }
0x5: {  	s28 =	simm.s32 $0x0;
	s7 =	sand.u32 $0x1, s0;
	s0 =	stileid.u32  }
0x6: {  	[smem:$0x7FF] =	sst s4;
	s18 =	sadd.s32 $0x1D200, s5;
	s16 =	smul.u32 $0xF0000, s7  }
0x7: {  	s2 =	sshll.u32 s7, $0x4;
	s8 =	ssub.s32 $0x2, s7;
	s17 =	smul.u32 $0xF000, s0  }
0x8: {  	p0 =	seq.s32 s7, $0x0;
	s7 =	simm.s32 $0xE;
	s21 =	smul.u32 $0x1E000, s0  }
0x9: {  	s6 =	sor.u32 s0, s2;
	s2 =	rddreg [dreg:$0x3];
	_ =	strace $0x80000047  }
0xa: {  	s26 =	sshrl.u32 s8, $0x1;
	s7 =	simm.s32 @!p0 $0x6;
	s6 =	smul.u32 $0x700, s6  }
0xb: {  	s9 =	ssub.s32 s8, s26;
	s29 =	sshrl.u32 s17, $0x1;
	s10 =	sadd.s32 s16, s17  }
0xc: {  	s11 =	sadd.s32 $0x3000, s17;
	s13 =	sadd.s32 $0x6000, s17;
	s19 =	sadd.s32 $0x9000, s17  }
0xd: {  	s17 =	sadd.s32 $0xC000, s17;
	s31 =	sshrl.u32 s21, $0x2;
	s21 =	simm.s32 $0x3800  }
0xe: {  	s26 =	simm.s32 $0x13000;
	s8 =	sadd.s32 s29, s3;
	s10 =	sshrl.u32 s10, $0x4  }
0xf: {  	s9 =	smax.u32 s9, $0x1;
	s12 =	sadd.s32 s16, s11;
	s11 =	sshrl.u32 s11, $0x1  }
0x10: {  	s14 =	sadd.s32 s16, s13;
	s13 =	sshrl.u32 s13, $0x1;
	s15 =	sshrl.u32 s19, $0x1  }
0x11: {  	s19 =	sadd.s32 s16, s19;
	s20 =	sadd.s32 s16, s17;
	s17 =	sshrl.u32 s17, $0x1  }
0x12: {  	s6 =	sadd.s32 s6, s5;
	s10 =	sadd.s32 s18, s10;
	s12 =	sshrl.u32 s12, $0x4  }
0x13: {  	s11 =	sadd.s32 s11, s3;
	s14 =	sshrl.u32 s14, $0x4;
	s13 =	sadd.s32 s13, s3  }
0x14: {  	s15 =	sadd.s32 s15, s3;
	s19 =	sshrl.u32 s19, $0x4;
	s30 =	sshrl.u32 s20, $0x4  }
0x15: {  	s17 =	sadd.s32 s17, s3;
	s20 =	simm.s32 $0x2;
	s5 =	sadd.s32 $0xF200, s6  }
0x16: {  	s6 =	sadd.s32 $0x1200, s6;
	s12 =	sadd.s32 s18, s12;
	s14 =	sadd.s32 s18, s14  }
0x17: {  	v0 =	vimm.bf16 $0.0e+00;
	s16 =	sadd.s32 s18, s19;
	s18 =	sadd.s32 s18, s30;
	s19 =	sadd.s32 s31, s3  }
.LBB2_1:
0x18: {  	[tilespmem:s4], [sflag:$0x2] =	stream.linear.gather [hbm4b:s5+s4], $0x3800, $0x38;
	[tilespmem:$0x1C300] =	vst v63  }
0x19: {  	_ =	swait.ge [sflag:s20], $0x3800  }
0x1a: {  	[sflag:s20] =	ssyncset.done $0x0  }
0x1b: {  	[sflag:s20] =	ssyncadd.s32 $0xFFFFC800  }
0x1c: {  	[tilespmem:s21], [sflag:$0x2] =	stream.linear.gather [hbm4b:s6+s4], $0x3800, $0x38;
	[tilespmem:$0x1C300] =	vst v63  }
0x1d: {  	_ =	swait.ge [sflag:s20], $0x3800  }
0x1e: {  	[sflag:s20] =	ssyncset.done $0x0  }
0x1f: {  	[sflag:s20] =	ssyncadd.s32 $0xFFFFC800  }
0x20: {  	[tilespmem:$0x14800] =	vst v0  }
0x21: {  	[tilespmem:$0x14810] =	vst v0  }
0x22: {  	[tilespmem:$0x14820] =	vst v0  }
0x23: {  	[tilespmem:$0x14830] =	vst v0  }
0x24: {  	[tilespmem:$0x14840] =	vst v0  }
0x25: {  	[tilespmem:$0x14850] =	vst v0  }
0x26: {  	[tilespmem:$0x14860] =	vst v0  }
0x27: {  	[tilespmem:$0x14870] =	vst v0  }
0x28: {  	[tilespmem:$0x14880] =	vst v0  }
0x29: {  	[tilespmem:$0x14890] =	vst v0  }
0x2a: {  	[tilespmem:$0x148A0] =	vst v0  }
0x2b: {  	[tilespmem:$0x148B0] =	vst v0  }
0x2c: {  	[tilespmem:$0x148C0] =	vst v0  }
0x2d: {  	[tilespmem:$0x148D0] =	vst v0  }
0x2e: {  	[tilespmem:$0x148E0] =	vst v0  }
0x2f: {  	[tilespmem:$0x148F0] =	vst v0  }
0x30: {  	[tilespmem:$0x14900] =	vst v0  }
0x31: {  	[tilespmem:$0x14910] =	vst v0  }
0x32: {  	[tilespmem:$0x14920] =	vst v0  }
0x33: {  	[tilespmem:$0x14930] =	vst v0  }
0x34: {  	[tilespmem:$0x14940] =	vst v0  }
0x35: {  	[tilespmem:$0x14950] =	vst v0  }
0x36: {  	[tilespmem:$0x14960] =	vst v0  }
0x37: {  	[tilespmem:$0x14970] =	vst v0  }
0x38: {  	[tilespmem:$0x14980] =	vst v0  }
0x39: {  	[tilespmem:$0x14990] =	vst v0  }
0x3a: {  	[tilespmem:$0x149A0] =	vst v0  }
0x3b: {  	[tilespmem:$0x149B0] =	vst v0  }
0x3c: {  	[tilespmem:$0x149C0] =	vst v0  }
0x3d: {  	[tilespmem:$0x149D0] =	vst v0  }
0x3e: {  	[tilespmem:$0x149E0] =	vst v0  }
0x3f: {  	[tilespmem:$0x149F0] =	vst v0  }
0x40: {  	[tilespmem:$0x14A00] =	vst v0  }
0x41: {  	[tilespmem:$0x14A10] =	vst v0  }
0x42: {  	[tilespmem:$0x14A20] =	vst v0  }
0x43: {  	[tilespmem:$0x14A30] =	vst v0  }
0x44: {  	[tilespmem:$0x14A40] =	vst v0  }
0x45: {  	[tilespmem:$0x14A50] =	vst v0  }
0x46: {  	[tilespmem:$0x14A60] =	vst v0  }
0x47: {  	[tilespmem:$0x14A70] =	vst v0  }
0x48: {  	[tilespmem:$0x14A80] =	vst v0  }
0x49: {  	[tilespmem:$0x14A90] =	vst v0  }
0x4a: {  	[tilespmem:$0x14AA0] =	vst v0  }
0x4b: {  	[tilespmem:$0x14AB0] =	vst v0  }
0x4c: {  	[tilespmem:$0x14AC0] =	vst v0  }
0x4d: {  	[tilespmem:$0x14AD0] =	vst v0  }
0x4e: {  	[tilespmem:$0x14AE0] =	vst v0  }
0x4f: {  	[tilespmem:$0x14AF0] =	vst v0  }
0x50: {  	s29 =	sadd.s32 $0x0, s19;
	_ =	strace $0x80000048  }
0x51: {  	[spmem:s29] =	stream.linear.scatter [tilespmem:s22], [sflag:$0x2], $0x300, $0x200038;
	[tilespmem:$0x1C300] =	vst v63  }
0x52: {  	s29 =	simm.s32 $0xC00;
	_ =	swait.ge [sflag:s20], $0x300  }
.LBB2_2:
0x53: {  	s30 =	sshra.s32 s29, $0x2;
	[sflag:s20] =	ssyncset.done $0x0;
	p0 =	sne.s32 s29, $0x1D400  }
.Ltmp0:
0x54: {  	s30 =	sadd.s32 s30, s19;
	[sflag:s20] =	ssyncadd.s32 $0xFFFFFD00;
	(pc) =	sbr.rel @p0 .LBB2_2-.Ltmp0, $3  }
0x55: {  	[spmem:s30] =	stream.linear.scatter [tilespmem:s22], [sflag:$0x2], $0x300, $0x200038;
	[tilespmem:$0x1C300] =	vst v63  }
0x56: {  	s29 =	sadd.s32 $0xC00, s29;
	_ =	sdelay $0x1  }
0x57: {  	_ =	swait.ge [sflag:s20], $0x300  }
0x58: {  	[sflag:s20] =	ssyncset.done $0x0  }
0x59: {  	[sflag:s20] =	ssyncadd.s32 $0xFFFFFD00  }
0x5a: {  	[bflag:$0x0] =	sbarrier.arrive $0xFFFF  }
0x5b: {  	_ =	strace $0x90000048  }
0x5c: {  	_ =	strace $0x80000049  }
0x5d: {  	s29 =	simm.s32 $0x0;
	_ =	strace $0x8000004A  }
0x5e: {  	[tilespmem:s24], [sflag:$0x1] =	stream.indirect.gather [hbm4b:s1+s23], $0x30, s29, s23, $0x2000b8;
	[tilespmem:$0x1C300] =	vst v63  }
0x5f: {  	_ =	swait.ge [sflag:s25], $0xC000  }
0x60: {  	[sflag:s25] =	ssyncset.done $0x0  }
0x61: {  	[sflag:s25] =	ssyncadd.s32 $0xFFFF4000  }
0x62: {  	p0 =	sne.s32 s7, $0x1;
	_ =	strace $0x9000004A  }
.Ltmp1:
0x63: {  	s30 =	simm.s32 $0x3800;
	_ =	strace $0x8000004B;
	(pc) =	sbr.rel @!p0 .LBB2_5-.Ltmp1, $4  }
0x64: {  	[spmem:s3] =	stream.indirect.scatter.add.bf16 [tilespmem:s24], [sflag:$0x2], $0x30, s30, s23, $0x2000b8;
	[tilespmem:$0x1C300] =	vst v63  }
0x65: {  	_ =	swait.ge [sflag:s20], $0xC000  }
0x66: {  	[sflag:s20] =	ssyncset.done $0x0  }
0x67: {  	s31 =	sadd.s32 $0xFFFFFFFF, s7;
	[sflag:s20] =	ssyncadd.s32 $0xFFFF4000  }
.LBB2_4:
0x68: {  	_ =	strace $0x9000004B;
	s29 =	sadd.s32 $0x400, s29;
	s30 =	sadd.s32 $0x400, s30  }
0x69: {  	p0 =	sne.s32 s31, $0x1;
	s31 =	sadd.s32 $0xFFFFFFFF, s31;
	_ =	strace $0x8000004A  }
0x6a: {  	[tilespmem:s24], [sflag:$0x1] =	stream.indirect.gather [hbm4b:s1+s23], $0x30, s29, s23, $0x2000b8;
	[tilespmem:$0x1C300] =	vst v63  }
0x6b: {  	_ =	swait.ge [sflag:s25], $0xC000  }
0x6c: {  	[sflag:s25] =	ssyncset.done $0x0  }
0x6d: {  	[sflag:s25] =	ssyncadd.s32 $0xFFFF4000  }
0x6e: {  	_ =	strace $0x9000004A  }
.Ltmp2:
0x6f: {  	_ =	strace $0x8000004B;
	(pc) =	sbr.rel @p0 .LBB2_4-.Ltmp2, $4  }
0x70: {  	[spmem:s3] =	stream.indirect.scatter.add.bf16 [tilespmem:s24], [sflag:$0x2], $0x30, s30, s23, $0x2000b8;
	[tilespmem:$0x1C300] =	vst v63  }
0x71: {  	_ =	swait.ge [sflag:s20], $0xC000  }
0x72: {  	[sflag:s20] =	ssyncset.done $0x0  }
0x73: {  	[sflag:s20] =	ssyncadd.s32 $0xFFFF4000  }
.LBB2_5:
0x74: {  	_ =	strace $0x9000004B  }
0x75: {  	_ =	strace $0x90000049  }
0x76: {  	_ =	strace $0x8000004C  }
0x77: {  	[bflag:$0x0] =	sbarrier.arrive $0xFFFF  }
0x78: {  	_ =	strace $0x9000004C  }
0x79: {  	_ =	strace $0x8000004D  }
0x7a: {  	[tilespmem:s26], [sflag:$0x2] =	stream.linear.gather [spmem:s8], $0x1800, $0x200038;
	[tilespmem:$0x1C300] =	vst v63  }
0x7b: {  	_ =	swait.ge [sflag:s20], $0x1800  }
0x7c: {  	[sflag:s20] =	ssyncset.done $0x0  }
0x7d: {  	[sflag:s20] =	ssyncadd.s32 $0xFFFFE800  }
0x7e: {  	[hbm4b:s10+s4] =	stream.linear.scatter [tilespmem:s26], [sflag:$0x2], $0x1800, $0x200038;
	[tilespmem:$0x1C300] =	vst v63  }
0x7f: {  	_ =	swait.ge [sflag:s20], $0x1800  }
0x80: {  	[sflag:s20] =	ssyncset.done $0x0  }
0x81: {  	[sflag:s20] =	ssyncadd.s32 $0xFFFFE800  }
0x82: {  	[tilespmem:s26], [sflag:$0x2] =	stream.linear.gather [spmem:s11], $0x1800, $0x200038;
	[tilespmem:$0x1C300] =	vst v63  }
0x83: {  	_ =	swait.ge [sflag:s20], $0x1800  }
0x84: {  	[sflag:s20] =	ssyncset.done $0x0  }
0x85: {  	[sflag:s20] =	ssyncadd.s32 $0xFFFFE800  }
0x86: {  	[hbm4b:s12+s4] =	stream.linear.scatter [tilespmem:s26], [sflag:$0x2], $0x1800, $0x200038;
	[tilespmem:$0x1C300] =	vst v63  }
0x87: {  	_ =	swait.ge [sflag:s20], $0x1800  }
0x88: {  	[sflag:s20] =	ssyncset.done $0x0  }
0x89: {  	[sflag:s20] =	ssyncadd.s32 $0xFFFFE800  }
0x8a: {  	[tilespmem:s26], [sflag:$0x2] =	stream.linear.gather [spmem:s13], $0x1800, $0x200038;
	[tilespmem:$0x1C300] =	vst v63  }
0x8b: {  	_ =	swait.ge [sflag:s20], $0x1800  }
0x8c: {  	[sflag:s20] =	ssyncset.done $0x0  }
0x8d: {  	[sflag:s20] =	ssyncadd.s32 $0xFFFFE800  }
0x8e: {  	[hbm4b:s14+s4] =	stream.linear.scatter [tilespmem:s26], [sflag:$0x2], $0x1800, $0x200038;
	[tilespmem:$0x1C300] =	vst v63  }
0x8f: {  	_ =	swait.ge [sflag:s20], $0x1800  }
0x90: {  	[sflag:s20] =	ssyncset.done $0x0  }
0x91: {  	[sflag:s20] =	ssyncadd.s32 $0xFFFFE800  }
0x92: {  	[tilespmem:s26], [sflag:$0x2] =	stream.linear.gather [spmem:s15], $0x1800, $0x200038;
	[tilespmem:$0x1C300] =	vst v63  }
0x93: {  	_ =	swait.ge [sflag:s20], $0x1800  }
0x94: {  	[sflag:s20] =	ssyncset.done $0x0  }
0x95: {  	[sflag:s20] =	ssyncadd.s32 $0xFFFFE800  }
0x96: {  	[hbm4b:s16+s4] =	stream.linear.scatter [tilespmem:s26], [sflag:$0x2], $0x1800, $0x200038;
	[tilespmem:$0x1C300] =	vst v63  }
0x97: {  	_ =	swait.ge [sflag:s20], $0x1800  }
0x98: {  	[sflag:s20] =	ssyncset.done $0x0  }
0x99: {  	[sflag:s20] =	ssyncadd.s32 $0xFFFFE800  }
0x9a: {  	[tilespmem:s26], [sflag:$0x2] =	stream.linear.gather [spmem:s17], $0x1800, $0x200038;
	[tilespmem:$0x1C300] =	vst v63  }
0x9b: {  	_ =	swait.ge [sflag:s20], $0x1800  }
0x9c: {  	s28 =	sadd.s32 $0x1, s28;
	[sflag:s20] =	ssyncset.done $0x0  }
0x9d: {  	p0 =	sne.s32 s28, s9;
	[sflag:s20] =	ssyncadd.s32 $0xFFFFE800  }
0x9e: {  	[hbm4b:s18+s4] =	stream.linear.scatter [tilespmem:s26], [sflag:$0x2], $0x1800, $0x200038;
	[tilespmem:$0x1C300] =	vst v63  }
.Ltmp3:
0x9f: {  	_ = 	snop;
	(pc) =	sbr.rel @p0 .LBB2_1-.Ltmp3, $4  }
0xa0: {  	_ =	swait.ge [sflag:s20], $0x1800  }
0xa1: {  	[sflag:s20] =	ssyncset.done $0x0  }
0xa2: {  	[sflag:s20] =	ssyncadd.s32 $0xFFFFE800  }
0xa3: {  	_ =	strace $0x9000004D  }
0xa4: {  	_ =	sfence.sel $0x180000  }
0xa5: {  	[bflag:$0x0] =	sbarrier.arrive $0xFFFF  }
0xa6: {  	p0 =	sne.s32 s0, $0x0;
	_ =	strace $0x90000047  }
0xa7: {  	s0 =	sadd.s32 @!p0 $0x100000, s2;
	[bflag:$0x2] =	sbarrier.arrive $0xFFFF  }
0xa8: {  	[sflag:s0] =	ssyncadd.tile.s32 @!p0 $0x1;
	_ =	shalt  }
.Lfunc_end2:
_tile_overlayer_lowered:
.L_overlay_start_2:
0xa9: {  	(tag) =	ssettag $0x2  }
0xaa: {  	s0 =	rddreg [dreg:$0x0];
	s2 =	stileid.u32  }
0xab: {  	s1 =	rddreg [dreg:$0x1];
	p0 =	sne.s32 s2, $0x0  }
0xac: {  	s3 =	rddreg [dreg:$0x2];
	[bflag:$0x3] =	sbarrier.arrive $0xFFFF;
	s2 =	simm.s32 @!p0 $0x1C02  }
0xad: {  	[timem:s3], [sflag:s2] =	dma.local @!p0 [hbm:s0], s1  }
0xae: {  	s0 =	simm.s32 @!p0 $0x2  }
0xaf: {  	_ =	swait.ge @!p0 [sflag:s0], s1  }
0xb0: {  	s1 =	ssub.s32 @!p0 $0x0, s1;
	[sflag:s0] =	ssyncset.done @!p0 $0x0  }
0xb1: {  	[sflag:s0] =	ssyncadd.s32 @!p0 s1  }
0xb2: {  	[bflag:$0x3] =	sbarrier.arrive $0xFFFF  }
0xb3: {  	_ =	shalt  }

</sc_bundles>
